<compile_context>
chip_gen: v7x
topology: tpu7x:2x2x1
jax: 0.10.2.dev20260603
libtpu: 0.0.44.dev20260713+nightly
codegen_flags: <defaults>
</compile_context>

<pallas_src>
import functools

import jax
import jax.numpy as jnp
from jax import lax
from jax.experimental import pallas as pl
from jax.experimental.pallas import tpu as pltpu
from jax.experimental.pallas import tpu_sc as plsc

_NUM_EXPERT = 64
_D = 768
_CAP = 128
_SLOTS = _NUM_EXPERT * _CAP
_NW = 32
_NC = 2



def _gate_body(x_ref, gw_ref, gb_ref, g0_ref, e0_ref, e1_ref):
    x = x_ref[...]
    logits = jnp.dot(x, gw_ref[...], preferred_element_type=jnp.float32)
    logits = logits + gb_ref[0, 0, :][None, :]
    B = logits.shape[0]
    cols = lax.broadcasted_iota(jnp.int32, logits.shape, 1)
    v0 = jnp.max(logits, axis=1)
    e0 = jnp.min(jnp.where(logits == v0[:, None], cols, _NUM_EXPERT), axis=1)
    masked = jnp.where(cols == e0[:, None], -jnp.inf, logits)
    v1 = jnp.max(masked, axis=1)
    e1 = jnp.min(jnp.where((masked == v1[:, None]) & (cols != e0[:, None]),
                           cols, _NUM_EXPERT), axis=1)
    g0_ref[...] = 1.0 / (1.0 + jnp.exp(v1 - v0))
    e0_ref[...] = e0
    e1_ref[...] = e1


def _gate(x, gate_w, gate_b):
    N = x.shape[0]
    B = 1024
    gb3 = gate_b.reshape(1, 1, _NUM_EXPERT)
    return pl.pallas_call(
        _gate_body,
        grid=(N // B,),
        in_specs=[
            pl.BlockSpec((B, _D), lambda i: (i, 0)),
            pl.BlockSpec((_D, _NUM_EXPERT), lambda i: (0, 0)),
            pl.BlockSpec((1, 1, _NUM_EXPERT), lambda i: (0, 0, 0)),
        ],
        out_specs=[
            pl.BlockSpec((B,), lambda i: (i,)),
            pl.BlockSpec((B,), lambda i: (i,)),
            pl.BlockSpec((B,), lambda i: (i,)),
        ],
        out_shape=[
            jax.ShapeDtypeStruct((N,), jnp.float32),
            jax.ShapeDtypeStruct((N,), jnp.int32),
            jax.ShapeDtypeStruct((N,), jnp.int32),
        ],
    )(x, gate_w, gb3)



def _expert_body(disp_ref, w_ref, wgt_ref, b_ref, out_ref):
    i = pl.program_id(0)
    d = disp_ref[...]
    y = jnp.dot(d, w_ref[0], preferred_element_type=jnp.float32)
    y = y + b_ref[0, 0, :][None, :]
    delta = y - d
    wrow = wgt_ref[0, 0, :]
    r = lax.broadcasted_iota(jnp.int32, (_CAP, _CAP), 0)
    c = lax.broadcasted_iota(jnp.int32, (_CAP, _CAP), 1)
    diag = jnp.where(r == c, jnp.broadcast_to(wrow[None, :], (_CAP, _CAP)), 0.0)
    scaled = jnp.dot(diag, delta, preferred_element_type=jnp.float32)
    out_ref[...] = jnp.where(i == _NUM_EXPERT, 0.0, scaled)


def _expert(disp, expert_w, wgt_tbl, expert_b):
    wgt3 = wgt_tbl.reshape(_NUM_EXPERT, 1, _CAP)
    b3 = expert_b.reshape(_NUM_EXPERT, 1, _D)
    last = _NUM_EXPERT - 1
    return pl.pallas_call(
        _expert_body,
        grid=(_NUM_EXPERT + 1,),
        in_specs=[
            pl.BlockSpec((_CAP, _D), lambda i: (jnp.minimum(i, last), 0)),
            pl.BlockSpec((1, _D, _D), lambda i: (jnp.minimum(i, last), 0, 0)),
            pl.BlockSpec((1, 1, _CAP), lambda i: (jnp.minimum(i, last), 0, 0)),
            pl.BlockSpec((1, 1, _D), lambda i: (jnp.minimum(i, last), 0, 0)),
        ],
        out_specs=pl.BlockSpec((_CAP, _D), lambda i: (i, 0)),
        out_shape=jax.ShapeDtypeStruct(((_NUM_EXPERT + 1) * _CAP, _D),
                                       jnp.float32),
    )(disp, expert_w, wgt3, b3)



def _sc_gather(x, idx_tbl):
    N, D = x.shape
    per_w = _SLOTS // _NW
    CH = 64
    mesh = plsc.VectorSubcoreMesh(core_axis_name="c", subcore_axis_name="s")

    @functools.partial(
        pl.kernel, mesh=mesh,
        out_type=jax.ShapeDtypeStruct((_SLOTS, D), jnp.float32),
        scratch_types=[
            pltpu.VMEM((CH,), jnp.int32),
            pltpu.VMEM((CH, D), jnp.float32),
            pltpu.SemaphoreType.DMA,
        ],
    )
    def k(x_hbm, idx_hbm, out_hbm, idx_v, rows_v, sem):
        wid = lax.axis_index("s") * _NC + lax.axis_index("c")

        def body(c, carry):
            base = wid * per_w + c * CH
            pltpu.sync_copy(idx_hbm.at[pl.ds(base, CH)], idx_v)
            pltpu.async_copy(x_hbm.at[idx_v], rows_v, sem).wait()
            pltpu.sync_copy(rows_v, out_hbm.at[pl.ds(base, CH)])
            return carry

        lax.fori_loop(0, per_w // CH, body, 0)

    return k(x, idx_tbl)



def _sc_gather_pair(delta, p0, p1):
    N = p0.shape[0]
    D = delta.shape[1]
    per_w = N // _NW
    CH = 32
    NCH = per_w // CH
    mesh = plsc.VectorSubcoreMesh(core_axis_name="c", subcore_axis_name="s")

    @functools.partial(
        pl.kernel, mesh=mesh,
        out_type=[
            jax.ShapeDtypeStruct((N, D), jnp.float32),
            jax.ShapeDtypeStruct((N, D), jnp.float32),
        ],
        scratch_types=[
            pltpu.VMEM((2, CH), jnp.int32),
            pltpu.VMEM((2, CH), jnp.int32),
            pltpu.VMEM((2, CH, D), jnp.float32),
            pltpu.VMEM((2, CH, D), jnp.float32),
            pltpu.SemaphoreType.DMA,
            pltpu.SemaphoreType.DMA,
        ],
    )
    def k(delta_hbm, p0_hbm, p1_hbm, d0_hbm, d1_hbm,
          p0v, p1v, d0v, d1v, sem_a, sem_b):
        wid = lax.axis_index("s") * _NC + lax.axis_index("c")
        base = wid * per_w
        sems = (sem_a, sem_b)

        def fetch(c, b):
            tok0 = base + c * CH
            pltpu.sync_copy(p0_hbm.at[pl.ds(tok0, CH)], p0v.at[b])
            pltpu.sync_copy(p1_hbm.at[pl.ds(tok0, CH)], p1v.at[b])
            pltpu.async_copy(delta_hbm.at[p0v.at[b]], d0v.at[b], sems[b])
            pltpu.async_copy(delta_hbm.at[p1v.at[b]], d1v.at[b], sems[b])

        def drain(c, b):
            tok0 = base + c * CH
            pltpu.make_async_copy(delta_hbm.at[p0v.at[b]], d0v.at[b],
                                  sems[b]).wait()
            pltpu.make_async_copy(delta_hbm.at[p1v.at[b]], d1v.at[b],
                                  sems[b]).wait()
            pltpu.sync_copy(d0v.at[b], d0_hbm.at[pl.ds(tok0, CH)])
            pltpu.sync_copy(d1v.at[b], d1_hbm.at[pl.ds(tok0, CH)])

        fetch(0, 0)

        def pair(i, carry):
            c = i * 2

            @pl.when(c + 1 < NCH)
            def _():
                fetch(c + 1, 1)

            drain(c, 0)

            @pl.when(c + 2 < NCH)
            def _():
                fetch(c + 2, 0)

            @pl.when(c + 1 < NCH)
            def _():
                drain(c + 1, 1)

            return carry

        lax.fori_loop(0, (NCH + 1) // 2, pair, 0)

    return k(delta, p0, p1)



def _combine_body(x_ref, d0_ref, d1_ref, o_ref):
    o_ref[...] = x_ref[...] + d0_ref[...] + d1_ref[...]


def _combine(x, d0, d1):
    N, D = x.shape
    B = 1024
    spec = pl.BlockSpec((B, D), lambda i: (i, 0))
    return pl.pallas_call(
        _combine_body,
        grid=(N // B,),
        in_specs=[spec, spec, spec],
        out_specs=spec,
        out_shape=jax.ShapeDtypeStruct((N, D), jnp.float32),
    )(x, d0, d1)



def _route(g0, e0, e1):
    N = g0.shape[0]
    n_slots = N * 2
    slot_expert = jnp.stack([e0, e1], axis=1).reshape(-1)
    slot_score = jnp.stack([g0, g0], axis=1).reshape(-1)
    sort_key = slot_expert.astype(jnp.float32) * 4.0 - slot_score
    iota = jnp.arange(n_slots, dtype=jnp.int32)
    sorted_key, order = lax.sort((sort_key, iota), num_keys=1, is_stable=True)
    inv = jnp.argsort(order).astype(jnp.int32)
    sorted_expert = jnp.floor(sorted_key * 0.25).astype(jnp.int32) + 1

    e_ids = jnp.arange(_NUM_EXPERT + 1, dtype=jnp.int32)
    starts_ext = jnp.sum(
        (slot_expert[None, :] < e_ids[:, None]).astype(jnp.int32), axis=1)
    starts = starts_ext[:_NUM_EXPERT]
    counts = starts_ext[1:] - starts

    oh = (sorted_expert[:, None]
          == jnp.arange(_NUM_EXPERT, dtype=jnp.int32)[None, :]).astype(
              jnp.float32)
    starts_se = jnp.round(jnp.dot(
        oh, starts.astype(jnp.float32),
        precision=lax.Precision.HIGHEST)).astype(jnp.int32)
    rank = jnp.arange(n_slots, dtype=jnp.int32) - starts_se
    keep_sorted = rank < _CAP
    tok_sorted = (order // 2).astype(jnp.int32)
    loc_sorted = jnp.where(keep_sorted,
                           sorted_expert * _CAP + rank,
                           _SLOTS + (tok_sorted % _CAP)).astype(jnp.int32)

    pos = loc_sorted[inv]
    p0 = pos[0::2]
    p1 = pos[1::2]

    slot_g = jnp.stack([g0, 1.0 - g0], axis=1).reshape(-1)
    pr = jnp.arange(_SLOTS, dtype=jnp.int32) % _CAP
    starts_rep = jnp.broadcast_to(
        starts[:, None], (_NUM_EXPERT, _CAP)).reshape(_SLOTS)
    counts_rep = jnp.broadcast_to(
        counts[:, None], (_NUM_EXPERT, _CAP)).reshape(_SLOTS)
    j_p = lax.optimization_barrier(
        jnp.minimum(starts_rep + pr, n_slots - 1))
    valid = pr < counts_rep
    order_jp = order[j_p]
    idx_tbl = jnp.where(valid, order_jp // 2, 0)
    wgt_tbl = jnp.where(valid, slot_g[order_jp], 0.0)
    return p0, p1, idx_tbl, wgt_tbl


@jax.jit
def kernel(moe_inp, gate_w, gate_b, expert_w, expert_b):
    x = moe_inp
    g0, e0, e1 = _gate(x, gate_w, gate_b)
    p0, p1, idx_tbl, wgt_tbl = _route(g0, e0, e1)
    disp = _sc_gather(x, idx_tbl)
    delta = _expert(disp, expert_w, wgt_tbl, expert_b)
    d0, d1 = _sc_gather_pair(delta, p0, p1)
    return _combine(x, d0, d1)

# --- scband reference (transcript-rebuilt; emitter-appended) ---
"""Pipeline reference for scband-attention-mo-eqkvseperate-89189290869041 (READ-ONLY COPY).

The authoritative reference and input builder live on the scoring server;
editing this copy changes nothing except your own understanding.
"""

import jax, jax.numpy as jnp
import numpy as np

NUM_EXPERT = 64
D_MODEL = 768
TOP_K = 2
CAPACITY = 128
N_TOKENS = 32768


def setup_inputs(seed: int = 0) -> dict:
    key = jax.random.key(seed)
    k1, k2, k3 = jax.random.split(key, 3)
    moe_inp = jax.random.normal(k1, (N_TOKENS, D_MODEL), dtype=jnp.float32)
    gate_w = jax.random.normal(k2, (D_MODEL, NUM_EXPERT), dtype=jnp.float32) * 0.02
    gate_b = jnp.zeros((NUM_EXPERT,), dtype=jnp.float32)
    expert_w = jax.random.normal(k3, (NUM_EXPERT, D_MODEL, D_MODEL), dtype=jnp.float32) * 0.02
    expert_b = jnp.zeros((NUM_EXPERT, D_MODEL), dtype=jnp.float32)
    return {"moe_inp": moe_inp, "gate_w": gate_w, "gate_b": gate_b,
            "expert_w": expert_w, "expert_b": expert_b}


def reference(moe_inp, gate_w, gate_b, expert_w, expert_b):
    x = moe_inp
    N = x.shape[0]
    n_slots = N * TOP_K
    # NaiveGate: linear -> top-k -> softmax over the k selected logits
    logits = x @ gate_w + gate_b
    topk_val, topk_idx = jax.lax.top_k(logits, TOP_K)
    gate_score = jax.nn.softmax(topk_val, axis=-1)            # [N, K]
    mask_scores = jnp.max(gate_score, axis=-1)                # [N], per-token max score (used for capacity drop)

    slot_expert = topk_idx.reshape(-1)                        # [N*K]
    slot_token = jnp.arange(n_slots) // TOP_K                 # [N*K]
    slot_score = mask_scores[slot_token]                      # [N*K]

    # Sort slots by (expert asc, score desc); scores in (0,1] so a gap of 4 separates experts
    sort_key = slot_expert.astype(jnp.float32) * 4.0 - slot_score
    order = jnp.argsort(sort_key)
    sorted_expert = slot_expert[order]
    counts = jnp.bincount(slot_expert, length=NUM_EXPERT)
    starts = jnp.concatenate([jnp.zeros((1,), counts.dtype), jnp.cumsum(counts)[:-1]])
    rank = jnp.arange(n_slots) - starts[sorted_expert]        # rank within expert, by descending score
    keep_sorted = rank < CAPACITY

    keep = jnp.zeros((n_slots,), bool).at[order].set(keep_sorted)
    rank_slot = jnp.zeros((n_slots,), jnp.int32).at[order].set(rank.astype(jnp.int32))
    loc = jnp.where(keep, slot_expert * CAPACITY + rank_slot, NUM_EXPERT * CAPACITY)

    x_slots = x[slot_token]                                   # [N*K, d] scattered input
    buf = jnp.zeros((NUM_EXPERT * CAPACITY + 1, D_MODEL), x.dtype).at[loc].set(x_slots)
    disp = buf[:NUM_EXPERT * CAPACITY].reshape(NUM_EXPERT, CAPACITY, D_MODEL)

    # QKV-separate expert projection (per-expert linear)
    exp_out = jnp.einsum('ecd,edf->ecf', disp, expert_w) + expert_b[:, None, :]
    exp_flat = jnp.concatenate([exp_out.reshape(-1, D_MODEL),
                                jnp.zeros((1, D_MODEL), x.dtype)], axis=0)

    # Dropped slots keep the scattered input features (x[mask==True] = exp_out semantics)
    slot_out = jnp.where(keep[:, None], exp_flat[loc], x_slots)

    # bmm combine: out[t] = sum_k gate_score[t,k] * slot_out[t,k]
    out = jnp.einsum('nk,nkd->nd', gate_score, slot_out.reshape(N, TOP_K, D_MODEL))
    return out

if __name__ == "__main__":
    import jax
    _d = setup_inputs()
    print(jax.jit(kernel)(*tuple(_d.values())))

</pallas_src>

<mosaic_0001>
#map = affine_map<(d0, d1) -> (0, 0)>
#map1 = affine_map<(d0, d1) -> (0)>
module attributes {stable_mosaic.version = 14 : i64} {
  func.func @k(%arg0: i32, %arg1: i32, %arg2: memref<32768x768xf32, #tpu.memory_space<hbm>>, %arg3: memref<8192xi32, #tpu.memory_space<hbm>>, %arg4: memref<8192x768xf32, #tpu.memory_space<hbm>>, %arg5: memref<64xi32, #tpu.memory_space<vmem>>, %arg6: memref<64x768xf32, #tpu.memory_space<vmem>>, %arg7: memref<!tpu.dma_semaphore, #tpu.memory_space<semaphore_mem>>) attributes {dimension_semantics = [#tpu.dimension_semantics<core_parallel>, #tpu.dimension_semantics<subcore_parallel>], iteration_bounds = array<i64: 2, 16>, scalar_prefetch = 0 : i64, scratch_operands = 3 : i64, tpu.core_type = #tpu.core_type<sc_vector_subcore>, window_params = [{transform_indices = #map}, {transform_indices = #map1}, {transform_indices = #map}]} {
    %mul3A = arith.constant 2 : i32
    %mul3A_0 = arith.muli %arg1, %mul3A : i32
    %add3A = arith.addi %mul3A_0, %arg0 : i32
    %scan3A = arith.constant 0 : i32
    %scan3A_1 = arith.constant 0 : i32
    %scan3A_2 = arith.constant 4 : i32
    %scan3A_3 = arith.addi %scan3A_1, %scan3A_2 : i32
    %scan3A_4 = arith.constant 1 : i32
    scf.for %scan3A_6 = %scan3A_1 to %scan3A_3 step %scan3A_4  : i32 {
      %mul3A_7 = arith.constant 256 : i32
      %mul3A_8 = arith.muli %add3A, %mul3A_7 : i32
      %mul3A_9 = arith.constant 64 : i32
      %mul3A_10 = arith.muli %scan3A_6, %mul3A_9 : i32
      %add3A_11 = arith.addi %mul3A_8, %mul3A_10 : i32
      "tpu.region"() ({
        %run_scoped3A = tpu.sem_alloc : memref<!tpu.dma_semaphore, #tpu.memory_space<semaphore_mem>>
        %dma_start3A_16 = tpu.memref_slice %arg3[%add3A_11] : memref<8192xi32, #tpu.memory_space<hbm>> -> memref<64xi32, #tpu.memory_space<hbm>>
        %dma_start3A_17 = tpu.memref_slice %arg3[%add3A_11] : memref<8192xi32, #tpu.memory_space<hbm>> -> memref<64xi32, #tpu.memory_space<hbm>>
        tpu.enqueue_dma source(%dma_start3A_17 : memref<64xi32, #tpu.memory_space<hbm>>) target(%arg5 : memref<64xi32, #tpu.memory_space<vmem>>) target_semaphore(%run_scoped3A : memref<!tpu.dma_semaphore, #tpu.memory_space<semaphore_mem>>)
        %dma_wait3A_18 = tpu.memref_slice %arg3[%add3A_11] : memref<8192xi32, #tpu.memory_space<hbm>> -> memref<64xi32, #tpu.memory_space<hbm>>
        %dma_wait3A_19 = tpu.memref_slice %arg3[%add3A_11] : memref<8192xi32, #tpu.memory_space<hbm>> -> memref<64xi32, #tpu.memory_space<hbm>>
        tpu.wait_dma2 semaphore(%run_scoped3A : memref<!tpu.dma_semaphore, #tpu.memory_space<semaphore_mem>>) src(%dma_wait3A_19 : memref<64xi32, #tpu.memory_space<hbm>>) dst(%arg5 : memref<64xi32, #tpu.memory_space<vmem>>)
        tpu.yield
      }) : () -> ()
      %dma_start3A = arith.constant 0 : i32
      %dma_start3A_12 = arith.constant 0 : i32
      %dma_start3A_13 = tpu.memref_slice %arg2[%dma_start3A, %dma_start3A_12] : memref<32768x768xf32, #tpu.memory_space<hbm>> -> memref<32768x768xf32, #tpu.memory_space<hbm>>
      tpu.enqueue_indirect_dma source(%dma_start3A_13 : memref<32768x768xf32, #tpu.memory_space<hbm>>) target(%arg6 : memref<64x768xf32, #tpu.memory_space<vmem>>) offsets(%arg5 : memref<64xi32, #tpu.memory_space<vmem>>) semaphore(%arg7 : memref<!tpu.dma_semaphore, #tpu.memory_space<semaphore_mem>>)
      %dma_wait3A = arith.constant 0 : i32
      %dma_wait3A_14 = arith.constant 0 : i32
      %dma_wait3A_15 = tpu.memref_slice %arg2[%dma_wait3A, %dma_wait3A_14] : memref<32768x768xf32, #tpu.memory_space<hbm>> -> memref<32768x768xf32, #tpu.memory_space<hbm>>
      tpu.wait_indirect_dma semaphore(%arg7 : memref<!tpu.dma_semaphore, #tpu.memory_space<semaphore_mem>>) src(%dma_wait3A_15 : memref<32768x768xf32, #tpu.memory_space<hbm>>) dst(%arg6 : memref<64x768xf32, #tpu.memory_space<vmem>>)
      "tpu.region"() ({
        %run_scoped3A = tpu.sem_alloc : memref<!tpu.dma_semaphore, #tpu.memory_space<semaphore_mem>>
        %dma_start3A_16 = arith.constant 0 : i32
        %dma_start3A_17 = tpu.memref_slice %arg4[%add3A_11, %dma_start3A_16] : memref<8192x768xf32, #tpu.memory_space<hbm>> -> memref<64x768xf32, #tpu.memory_space<hbm>>
        %dma_start3A_18 = arith.constant 0 : i32
        %dma_start3A_19 = tpu.memref_slice %arg4[%add3A_11, %dma_start3A_18] : memref<8192x768xf32, #tpu.memory_space<hbm>> -> memref<64x768xf32, #tpu.memory_space<hbm>>
        tpu.enqueue_dma source(%arg6 : memref<64x768xf32, #tpu.memory_space<vmem>>) target(%dma_start3A_19 : memref<64x768xf32, #tpu.memory_space<hbm>>) target_semaphore(%run_scoped3A : memref<!tpu.dma_semaphore, #tpu.memory_space<semaphore_mem>>)
        %dma_wait3A_20 = arith.constant 0 : i32
        %dma_wait3A_21 = tpu.memref_slice %arg4[%add3A_11, %dma_wait3A_20] : memref<8192x768xf32, #tpu.memory_space<hbm>> -> memref<64x768xf32, #tpu.memory_space<hbm>>
        %dma_wait3A_22 = arith.constant 0 : i32
        %dma_wait3A_23 = tpu.memref_slice %arg4[%add3A_11, %dma_wait3A_22] : memref<8192x768xf32, #tpu.memory_space<hbm>> -> memref<64x768xf32, #tpu.memory_space<hbm>>
        tpu.wait_dma2 semaphore(%run_scoped3A : memref<!tpu.dma_semaphore, #tpu.memory_space<semaphore_mem>>) src(%arg6 : memref<64x768xf32, #tpu.memory_space<vmem>>) dst(%dma_wait3A_23 : memref<64x768xf32, #tpu.memory_space<hbm>>)
        tpu.yield
      }) : () -> ()
    }
    %scan3A_5 = arith.constant 4 : i32
    return
  }
}

#map = affine_map<(d0, d1) -> (0, 0)>
#map1 = affine_map<(d0, d1) -> (0)>
module attributes {stable_mosaic.version = 14 : i64} {
  func.func @k(%arg0: i32, %arg1: i32, %arg2: memref<8320x768xf32, #tpu.memory_space<hbm>>, %arg3: memref<32768xi32, #tpu.memory_space<hbm>>, %arg4: memref<32768xi32, #tpu.memory_space<hbm>>, %arg5: memref<32768x768xf32, #tpu.memory_space<hbm>>, %arg6: memref<32768x768xf32, #tpu.memory_space<hbm>>, %arg7: memref<2x32xi32, #tpu.memory_space<vmem>>, %arg8: memref<2x32xi32, #tpu.memory_space<vmem>>, %arg9: memref<2x32x768xf32, #tpu.memory_space<vmem>>, %arg10: memref<2x32x768xf32, #tpu.memory_space<vmem>>, %arg11: memref<!tpu.dma_semaphore, #tpu.memory_space<semaphore_mem>>, %arg12: memref<!tpu.dma_semaphore, #tpu.memory_space<semaphore_mem>>) attributes {dimension_semantics = [#tpu.dimension_semantics<core_parallel>, #tpu.dimension_semantics<subcore_parallel>], iteration_bounds = array<i64: 2, 16>, scalar_prefetch = 0 : i64, scratch_operands = 6 : i64, tpu.core_type = #tpu.core_type<sc_vector_subcore>, window_params = [{transform_indices = #map}, {transform_indices = #map1}, {transform_indices = #map1}, {transform_indices = #map}, {transform_indices = #map}]} {
    %mul3A = arith.constant 2 : i32
    %mul3A_0 = arith.muli %arg1, %mul3A : i32
    %add3A = arith.addi %mul3A_0, %arg0 : i32
    %mul3A_1 = arith.constant 1024 : i32
    %mul3A_2 = arith.muli %add3A, %mul3A_1 : i32
    %add3A_3 = arith.constant 0 : i32
    %add3A_4 = arith.addi %mul3A_2, %add3A_3 : i32
    %run_scoped3A = arith.constant 0 : i32
    "tpu.region"() ({
      %run_scoped3A_34 = tpu.sem_alloc : memref<!tpu.dma_semaphore, #tpu.memory_space<semaphore_mem>>
      %dma_start3A_35 = arith.constant 0 : i32
      %dma_start3A_36 = tpu.memref_slice %arg7[%run_scoped3A, %dma_start3A_35] : memref<2x32xi32, #tpu.memory_space<vmem>> -> memref<1x32xi32, #tpu.memory_space<vmem>>
      %dma_start3A_37 = tpu.memref_squeeze %dma_start3A_36 : memref<1x32xi32, #tpu.memory_space<vmem>> -> memref<32xi32, #tpu.memory_space<vmem>>
      %dma_start3A_38 = tpu.memref_slice %arg3[%add3A_4] : memref<32768xi32, #tpu.memory_space<hbm>> -> memref<32xi32, #tpu.memory_space<hbm>>
      %dma_start3A_39 = arith.constant 0 : i32
      %dma_start3A_40 = tpu.memref_slice %arg7[%run_scoped3A, %dma_start3A_39] : memref<2x32xi32, #tpu.memory_space<vmem>> -> memref<1x32xi32, #tpu.memory_space<vmem>>
      %dma_start3A_41 = tpu.memref_squeeze %dma_start3A_40 : memref<1x32xi32, #tpu.memory_space<vmem>> -> memref<32xi32, #tpu.memory_space<vmem>>
      %dma_start3A_42 = tpu.memref_slice %arg3[%add3A_4] : memref<32768xi32, #tpu.memory_space<hbm>> -> memref<32xi32, #tpu.memory_space<hbm>>
      tpu.enqueue_dma source(%dma_start3A_42 : memref<32xi32, #tpu.memory_space<hbm>>) target(%dma_start3A_41 : memref<32xi32, #tpu.memory_space<vmem>>) target_semaphore(%run_scoped3A_34 : memref<!tpu.dma_semaphore, #tpu.memory_space<semaphore_mem>>)
      %dma_wait3A = arith.constant 0 : i32
      %dma_wait3A_43 = tpu.memref_slice %arg7[%run_scoped3A, %dma_wait3A] : memref<2x32xi32, #tpu.memory_space<vmem>> -> memref<1x32xi32, #tpu.memory_space<vmem>>
      %dma_wait3A_44 = tpu.memref_squeeze %dma_wait3A_43 : memref<1x32xi32, #tpu.memory_space<vmem>> -> memref<32xi32, #tpu.memory_space<vmem>>
      %dma_wait3A_45 = tpu.memref_slice %arg3[%add3A_4] : memref<32768xi32, #tpu.memory_space<hbm>> -> memref<32xi32, #tpu.memory_space<hbm>>
      %dma_wait3A_46 = arith.constant 0 : i32
      %dma_wait3A_47 = tpu.memref_slice %arg7[%run_scoped3A, %dma_wait3A_46] : memref<2x32xi32, #tpu.memory_space<vmem>> -> memref<1x32xi32, #tpu.memory_space<vmem>>
      %dma_wait3A_48 = tpu.memref_squeeze %dma_wait3A_47 : memref<1x32xi32, #tpu.memory_space<vmem>> -> memref<32xi32, #tpu.memory_space<vmem>>
      %dma_wait3A_49 = tpu.memref_slice %arg3[%add3A_4] : memref<32768xi32, #tpu.memory_space<hbm>> -> memref<32xi32, #tpu.memory_space<hbm>>
      tpu.wait_dma2 semaphore(%run_scoped3A_34 : memref<!tpu.dma_semaphore, #tpu.memory_space<semaphore_mem>>) src(%dma_wait3A_49 : memref<32xi32, #tpu.memory_space<hbm>>) dst(%dma_wait3A_48 : memref<32xi32, #tpu.memory_space<vmem>>)
      tpu.yield
    }) : () -> ()
    %run_scoped3A_5 = arith.constant 0 : i32
    "tpu.region"() ({
      %run_scoped3A_34 = tpu.sem_alloc : memref<!tpu.dma_semaphore, #tpu.memory_space<semaphore_mem>>
      %dma_start3A_35 = arith.constant 0 : i32
      %dma_start3A_36 = tpu.memref_slice %arg8[%run_scoped3A_5, %dma_start3A_35] : memref<2x32xi32, #tpu.memory_space<vmem>> -> memref<1x32xi32, #tpu.memory_space<vmem>>
      %dma_start3A_37 = tpu.memref_squeeze %dma_start3A_36 : memref<1x32xi32, #tpu.memory_space<vmem>> -> memref<32xi32, #tpu.memory_space<vmem>>
      %dma_start3A_38 = tpu.memref_slice %arg4[%add3A_4] : memref<32768xi32, #tpu.memory_space<hbm>> -> memref<32xi32, #tpu.memory_space<hbm>>
      %dma_start3A_39 = arith.constant 0 : i32
      %dma_start3A_40 = tpu.memref_slice %arg8[%run_scoped3A_5, %dma_start3A_39] : memref<2x32xi32, #tpu.memory_space<vmem>> -> memref<1x32xi32, #tpu.memory_space<vmem>>
      %dma_start3A_41 = tpu.memref_squeeze %dma_start3A_40 : memref<1x32xi32, #tpu.memory_space<vmem>> -> memref<32xi32, #tpu.memory_space<vmem>>
      %dma_start3A_42 = tpu.memref_slice %arg4[%add3A_4] : memref<32768xi32, #tpu.memory_space<hbm>> -> memref<32xi32, #tpu.memory_space<hbm>>
      tpu.enqueue_dma source(%dma_start3A_42 : memref<32xi32, #tpu.memory_space<hbm>>) target(%dma_start3A_41 : memref<32xi32, #tpu.memory_space<vmem>>) target_semaphore(%run_scoped3A_34 : memref<!tpu.dma_semaphore, #tpu.memory_space<semaphore_mem>>)
      %dma_wait3A = arith.constant 0 : i32
      %dma_wait3A_43 = tpu.memref_slice %arg8[%run_scoped3A_5, %dma_wait3A] : memref<2x32xi32, #tpu.memory_space<vmem>> -> memref<1x32xi32, #tpu.memory_space<vmem>>
      %dma_wait3A_44 = tpu.memref_squeeze %dma_wait3A_43 : memref<1x32xi32, #tpu.memory_space<vmem>> -> memref<32xi32, #tpu.memory_space<vmem>>
      %dma_wait3A_45 = tpu.memref_slice %arg4[%add3A_4] : memref<32768xi32, #tpu.memory_space<hbm>> -> memref<32xi32, #tpu.memory_space<hbm>>
      %dma_wait3A_46 = arith.constant 0 : i32
      %dma_wait3A_47 = tpu.memref_slice %arg8[%run_scoped3A_5, %dma_wait3A_46] : memref<2x32xi32, #tpu.memory_space<vmem>> -> memref<1x32xi32, #tpu.memory_space<vmem>>
      %dma_wait3A_48 = tpu.memref_squeeze %dma_wait3A_47 : memref<1x32xi32, #tpu.memory_space<vmem>> -> memref<32xi32, #tpu.memory_space<vmem>>
      %dma_wait3A_49 = tpu.memref_slice %arg4[%add3A_4] : memref<32768xi32, #tpu.memory_space<hbm>> -> memref<32xi32, #tpu.memory_space<hbm>>
      tpu.wait_dma2 semaphore(%run_scoped3A_34 : memref<!tpu.dma_semaphore, #tpu.memory_space<semaphore_mem>>) src(%dma_wait3A_49 : memref<32xi32, #tpu.memory_space<hbm>>) dst(%dma_wait3A_48 : memref<32xi32, #tpu.memory_space<vmem>>)
      tpu.yield
    }) : () -> ()
    %dma_start3A = arith.constant 0 : i32
    %dma_start3A_6 = arith.constant 0 : i32
    %dma_start3A_7 = arith.constant 0 : i32
    %dma_start3A_8 = arith.constant 0 : i32
    %dma_start3A_9 = tpu.memref_slice %arg9[%dma_start3A_6, %dma_start3A_7, %dma_start3A_8] : memref<2x32x768xf32, #tpu.memory_space<vmem>> -> memref<1x32x768xf32, #tpu.memory_space<vmem>>
    %dma_start3A_10 = tpu.memref_squeeze %dma_start3A_9 : memref<1x32x768xf32, #tpu.memory_space<vmem>> -> memref<32x768xf32, #tpu.memory_space<vmem>>
    %dma_start3A_11 = arith.constant 0 : i32
    %dma_start3A_12 = tpu.memref_slice %arg7[%dma_start3A, %dma_start3A_11] : memref<2x32xi32, #tpu.memory_space<vmem>> -> memref<1x32xi32, #tpu.memory_space<vmem>>
    %dma_start3A_13 = tpu.memref_squeeze %dma_start3A_12 : memref<1x32xi32, #tpu.memory_space<vmem>> -> memref<32xi32, #tpu.memory_space<vmem>>
    %dma_start3A_14 = arith.constant 0 : i32
    %dma_start3A_15 = arith.constant 0 : i32
    %dma_start3A_16 = tpu.memref_slice %arg2[%dma_start3A_14, %dma_start3A_15] : memref<8320x768xf32, #tpu.memory_space<hbm>> -> memref<8320x768xf32, #tpu.memory_space<hbm>>
    tpu.enqueue_indirect_dma source(%dma_start3A_16 : memref<8320x768xf32, #tpu.memory_space<hbm>>) target(%dma_start3A_10 : memref<32x768xf32, #tpu.memory_space<vmem>>) offsets(%dma_start3A_13 : memref<32xi32, #tpu.memory_space<vmem>>) semaphore(%arg11 : memref<!tpu.dma_semaphore, #tpu.memory_space<semaphore_mem>>)
    %dma_start3A_17 = arith.constant 0 : i32
    %dma_start3A_18 = arith.constant 0 : i32
    %dma_start3A_19 = arith.constant 0 : i32
    %dma_start3A_20 = arith.constant 0 : i32
    %dma_start3A_21 = tpu.memref_slice %arg10[%dma_start3A_18, %dma_start3A_19, %dma_start3A_20] : memref<2x32x768xf32, #tpu.memory_space<vmem>> -> memref<1x32x768xf32, #tpu.memory_space<vmem>>
    %dma_start3A_22 = tpu.memref_squeeze %dma_start3A_21 : memref<1x32x768xf32, #tpu.memory_space<vmem>> -> memref<32x768xf32, #tpu.memory_space<vmem>>
    %dma_start3A_23 = arith.constant 0 : i32
    %dma_start3A_24 = tpu.memref_slice %arg8[%dma_start3A_17, %dma_start3A_23] : memref<2x32xi32, #tpu.memory_space<vmem>> -> memref<1x32xi32, #tpu.memory_space<vmem>>
    %dma_start3A_25 = tpu.memref_squeeze %dma_start3A_24 : memref<1x32xi32, #tpu.memory_space<vmem>> -> memref<32xi32, #tpu.memory_space<vmem>>
    %dma_start3A_26 = arith.constant 0 : i32
    %dma_start3A_27 = arith.constant 0 : i32
    %dma_start3A_28 = tpu.memref_slice %arg2[%dma_start3A_26, %dma_start3A_27] : memref<8320x768xf32, #tpu.memory_space<hbm>> -> memref<8320x768xf32, #tpu.memory_space<hbm>>
    tpu.enqueue_indirect_dma source(%dma_start3A_28 : memref<8320x768xf32, #tpu.memory_space<hbm>>) target(%dma_start3A_22 : memref<32x768xf32, #tpu.memory_space<vmem>>) offsets(%dma_start3A_25 : memref<32xi32, #tpu.memory_space<vmem>>) semaphore(%arg11 : memref<!tpu.dma_semaphore, #tpu.memory_space<semaphore_mem>>)
    %scan3A = arith.constant 0 : i32
    %scan3A_29 = arith.constant 0 : i32
    %scan3A_30 = arith.constant 16 : i32
    %scan3A_31 = arith.addi %scan3A_29, %scan3A_30 : i32
    %scan3A_32 = arith.constant 1 : i32
    scf.for %scan3A_34 = %scan3A_29 to %scan3A_31 step %scan3A_32  : i32 {
      %mul3A_35 = arith.constant 2 : i32
      %mul3A_36 = arith.muli %scan3A_34, %mul3A_35 : i32
      %add3A_37 = arith.constant 1 : i32
      %add3A_38 = arith.addi %mul3A_36, %add3A_37 : i32
      %lt3A = arith.constant 32 : i32
      %lt3A_39 = arith.cmpi slt, %add3A_38, %lt3A : i32
      %convert_element_type3A = arith.extui %lt3A_39 : i1 to i32
      %cond3A = arith.constant 0 : i32
      %cond3A_40 = arith.cmpi ne, %convert_element_type3A, %cond3A : i32
      scf.if %cond3A_40 {
        %add3A_83 = arith.constant 1 : i32
        %add3A_84 = arith.addi %mul3A_36, %add3A_83 : i32
        %mul3A_85 = arith.constant 32 : i32
        %mul3A_86 = arith.muli %add3A_84, %mul3A_85 : i32
        %add3A_87 = arith.addi %mul3A_2, %mul3A_86 : i32
        %run_scoped3A_88 = arith.constant 1 : i32
        "tpu.region"() ({
          %run_scoped3A_114 = tpu.sem_alloc : memref<!tpu.dma_semaphore, #tpu.memory_space<semaphore_mem>>
          %dma_start3A_115 = arith.constant 0 : i32
          %dma_start3A_116 = tpu.memref_slice %arg7[%run_scoped3A_88, %dma_start3A_115] : memref<2x32xi32, #tpu.memory_space<vmem>> -> memref<1x32xi32, #tpu.memory_space<vmem>>
          %dma_start3A_117 = tpu.memref_squeeze %dma_start3A_116 : memref<1x32xi32, #tpu.memory_space<vmem>> -> memref<32xi32, #tpu.memory_space<vmem>>
          %dma_start3A_118 = tpu.memref_slice %arg3[%add3A_87] : memref<32768xi32, #tpu.memory_space<hbm>> -> memref<32xi32, #tpu.memory_space<hbm>>
          %dma_start3A_119 = arith.constant 0 : i32
          %dma_start3A_120 = tpu.memref_slice %arg7[%run_scoped3A_88, %dma_start3A_119] : memref<2x32xi32, #tpu.memory_space<vmem>> -> memref<1x32xi32, #tpu.memory_space<vmem>>
          %dma_start3A_121 = tpu.memref_squeeze %dma_start3A_120 : memref<1x32xi32, #tpu.memory_space<vmem>> -> memref<32xi32, #tpu.memory_space<vmem>>
          %dma_start3A_122 = tpu.memref_slice %arg3[%add3A_87] : memref<32768xi32, #tpu.memory_space<hbm>> -> memref<32xi32, #tpu.memory_space<hbm>>
          tpu.enqueue_dma source(%dma_start3A_122 : memref<32xi32, #tpu.memory_space<hbm>>) target(%dma_start3A_121 : memref<32xi32, #tpu.memory_space<vmem>>) target_semaphore(%run_scoped3A_114 : memref<!tpu.dma_semaphore, #tpu.memory_space<semaphore_mem>>)
          %dma_wait3A_123 = arith.constant 0 : i32
          %dma_wait3A_124 = tpu.memref_slice %arg7[%run_scoped3A_88, %dma_wait3A_123] : memref<2x32xi32, #tpu.memory_space<vmem>> -> memref<1x32xi32, #tpu.memory_space<vmem>>
          %dma_wait3A_125 = tpu.memref_squeeze %dma_wait3A_124 : memref<1x32xi32, #tpu.memory_space<vmem>> -> memref<32xi32, #tpu.memory_space<vmem>>
          %dma_wait3A_126 = tpu.memref_slice %arg3[%add3A_87] : memref<32768xi32, #tpu.memory_space<hbm>> -> memref<32xi32, #tpu.memory_space<hbm>>
          %dma_wait3A_127 = arith.constant 0 : i32
          %dma_wait3A_128 = tpu.memref_slice %arg7[%run_scoped3A_88, %dma_wait3A_127] : memref<2x32xi32, #tpu.memory_space<vmem>> -> memref<1x32xi32, #tpu.memory_space<vmem>>
          %dma_wait3A_129 = tpu.memref_squeeze %dma_wait3A_128 : memref<1x32xi32, #tpu.memory_space<vmem>> -> memref<32xi32, #tpu.memory_space<vmem>>
          %dma_wait3A_130 = tpu.memref_slice %arg3[%add3A_87] : memref<32768xi32, #tpu.memory_space<hbm>> -> memref<32xi32, #tpu.memory_space<hbm>>
          tpu.wait_dma2 semaphore(%run_scoped3A_114 : memref<!tpu.dma_semaphore, #tpu.memory_space<semaphore_mem>>) src(%dma_wait3A_130 : memref<32xi32, #tpu.memory_space<hbm>>) dst(%dma_wait3A_129 : memref<32xi32, #tpu.memory_space<vmem>>)
          tpu.yield
        }) : () -> ()
        %run_scoped3A_89 = arith.constant 1 : i32
        "tpu.region"() ({
          %run_scoped3A_114 = tpu.sem_alloc : memref<!tpu.dma_semaphore, #tpu.memory_space<semaphore_mem>>
          %dma_start3A_115 = arith.constant 0 : i32
          %dma_start3A_116 = tpu.memref_slice %arg8[%run_scoped3A_89, %dma_start3A_115] : memref<2x32xi32, #tpu.memory_space<vmem>> -> memref<1x32xi32, #tpu.memory_space<vmem>>
          %dma_start3A_117 = tpu.memref_squeeze %dma_start3A_116 : memref<1x32xi32, #tpu.memory_space<vmem>> -> memref<32xi32, #tpu.memory_space<vmem>>
          %dma_start3A_118 = tpu.memref_slice %arg4[%add3A_87] : memref<32768xi32, #tpu.memory_space<hbm>> -> memref<32xi32, #tpu.memory_space<hbm>>
          %dma_start3A_119 = arith.constant 0 : i32
          %dma_start3A_120 = tpu.memref_slice %arg8[%run_scoped3A_89, %dma_start3A_119] : memref<2x32xi32, #tpu.memory_space<vmem>> -> memref<1x32xi32, #tpu.memory_space<vmem>>
          %dma_start3A_121 = tpu.memref_squeeze %dma_start3A_120 : memref<1x32xi32, #tpu.memory_space<vmem>> -> memref<32xi32, #tpu.memory_space<vmem>>
          %dma_start3A_122 = tpu.memref_slice %arg4[%add3A_87] : memref<32768xi32, #tpu.memory_space<hbm>> -> memref<32xi32, #tpu.memory_space<hbm>>
          tpu.enqueue_dma source(%dma_start3A_122 : memref<32xi32, #tpu.memory_space<hbm>>) target(%dma_start3A_121 : memref<32xi32, #tpu.memory_space<vmem>>) target_semaphore(%run_scoped3A_114 : memref<!tpu.dma_semaphore, #tpu.memory_space<semaphore_mem>>)
          %dma_wait3A_123 = arith.constant 0 : i32
          %dma_wait3A_124 = tpu.memref_slice %arg8[%run_scoped3A_89, %dma_wait3A_123] : memref<2x32xi32, #tpu.memory_space<vmem>> -> memref<1x32xi32, #tpu.memory_space<vmem>>
          %dma_wait3A_125 = tpu.memref_squeeze %dma_wait3A_124 : memref<1x32xi32, #tpu.memory_space<vmem>> -> memref<32xi32, #tpu.memory_space<vmem>>
          %dma_wait3A_126 = tpu.memref_slice %arg4[%add3A_87] : memref<32768xi32, #tpu.memory_space<hbm>> -> memref<32xi32, #tpu.memory_space<hbm>>
          %dma_wait3A_127 = arith.constant 0 : i32
          %dma_wait3A_128 = tpu.memref_slice %arg8[%run_scoped3A_89, %dma_wait3A_127] : memref<2x32xi32, #tpu.memory_space<vmem>> -> memref<1x32xi32, #tpu.memory_space<vmem>>
          %dma_wait3A_129 = tpu.memref_squeeze %dma_wait3A_128 : memref<1x32xi32, #tpu.memory_space<vmem>> -> memref<32xi32, #tpu.memory_space<vmem>>
          %dma_wait3A_130 = tpu.memref_slice %arg4[%add3A_87] : memref<32768xi32, #tpu.memory_space<hbm>> -> memref<32xi32, #tpu.memory_space<hbm>>
          tpu.wait_dma2 semaphore(%run_scoped3A_114 : memref<!tpu.dma_semaphore, #tpu.memory_space<semaphore_mem>>) src(%dma_wait3A_130 : memref<32xi32, #tpu.memory_space<hbm>>) dst(%dma_wait3A_129 : memref<32xi32, #tpu.memory_space<vmem>>)
          tpu.yield
        }) : () -> ()
        %dma_start3A_90 = arith.constant 1 : i32
        %dma_start3A_91 = arith.constant 1 : i32
        %dma_start3A_92 = arith.constant 0 : i32
        %dma_start3A_93 = arith.constant 0 : i32
        %dma_start3A_94 = tpu.memref_slice %arg9[%dma_start3A_91, %dma_start3A_92, %dma_start3A_93] : memref<2x32x768xf32, #tpu.memory_space<vmem>> -> memref<1x32x768xf32, #tpu.memory_space<vmem>>
        %dma_start3A_95 = tpu.memref_squeeze %dma_start3A_94 : memref<1x32x768xf32, #tpu.memory_space<vmem>> -> memref<32x768xf32, #tpu.memory_space<vmem>>
        %dma_start3A_96 = arith.constant 0 : i32
        %dma_start3A_97 = tpu.memref_slice %arg7[%dma_start3A_90, %dma_start3A_96] : memref<2x32xi32, #tpu.memory_space<vmem>> -> memref<1x32xi32, #tpu.memory_space<vmem>>
        %dma_start3A_98 = tpu.memref_squeeze %dma_start3A_97 : memref<1x32xi32, #tpu.memory_space<vmem>> -> memref<32xi32, #tpu.memory_space<vmem>>
        %dma_start3A_99 = arith.constant 0 : i32
        %dma_start3A_100 = arith.constant 0 : i32
        %dma_start3A_101 = tpu.memref_slice %arg2[%dma_start3A_99, %dma_start3A_100] : memref<8320x768xf32, #tpu.memory_space<hbm>> -> memref<8320x768xf32, #tpu.memory_space<hbm>>
        tpu.enqueue_indirect_dma source(%dma_start3A_101 : memref<8320x768xf32, #tpu.memory_space<hbm>>) target(%dma_start3A_95 : memref<32x768xf32, #tpu.memory_space<vmem>>) offsets(%dma_start3A_98 : memref<32xi32, #tpu.memory_space<vmem>>) semaphore(%arg12 : memref<!tpu.dma_semaphore, #tpu.memory_space<semaphore_mem>>)
        %dma_start3A_102 = arith.constant 1 : i32
        %dma_start3A_103 = arith.constant 1 : i32
        %dma_start3A_104 = arith.constant 0 : i32
        %dma_start3A_105 = arith.constant 0 : i32
        %dma_start3A_106 = tpu.memref_slice %arg10[%dma_start3A_103, %dma_start3A_104, %dma_start3A_105] : memref<2x32x768xf32, #tpu.memory_space<vmem>> -> memref<1x32x768xf32, #tpu.memory_space<vmem>>
        %dma_start3A_107 = tpu.memref_squeeze %dma_start3A_106 : memref<1x32x768xf32, #tpu.memory_space<vmem>> -> memref<32x768xf32, #tpu.memory_space<vmem>>
        %dma_start3A_108 = arith.constant 0 : i32
        %dma_start3A_109 = tpu.memref_slice %arg8[%dma_start3A_102, %dma_start3A_108] : memref<2x32xi32, #tpu.memory_space<vmem>> -> memref<1x32xi32, #tpu.memory_space<vmem>>
        %dma_start3A_110 = tpu.memref_squeeze %dma_start3A_109 : memref<1x32xi32, #tpu.memory_space<vmem>> -> memref<32xi32, #tpu.memory_space<vmem>>
        %dma_start3A_111 = arith.constant 0 : i32
        %dma_start3A_112 = arith.constant 0 : i32
        %dma_start3A_113 = tpu.memref_slice %arg2[%dma_start3A_111, %dma_start3A_112] : memref<8320x768xf32, #tpu.memory_space<hbm>> -> memref<8320x768xf32, #tpu.memory_space<hbm>>
        tpu.enqueue_indirect_dma source(%dma_start3A_113 : memref<8320x768xf32, #tpu.memory_space<hbm>>) target(%dma_start3A_107 : memref<32x768xf32, #tpu.memory_space<vmem>>) offsets(%dma_start3A_110 : memref<32xi32, #tpu.memory_space<vmem>>) semaphore(%arg12 : memref<!tpu.dma_semaphore, #tpu.memory_space<semaphore_mem>>)
      } else {
      }
      %mul3A_41 = arith.constant 32 : i32
      %mul3A_42 = arith.muli %mul3A_36, %mul3A_41 : i32
      %add3A_43 = arith.addi %mul3A_2, %mul3A_42 : i32
      %dma_wait3A = arith.constant 0 : i32
      %dma_wait3A_44 = arith.constant 0 : i32
      %dma_wait3A_45 = arith.constant 0 : i32
      %dma_wait3A_46 = arith.constant 0 : i32
      %dma_wait3A_47 = tpu.memref_slice %arg9[%dma_wait3A_44, %dma_wait3A_45, %dma_wait3A_46] : memref<2x32x768xf32, #tpu.memory_space<vmem>> -> memref<1x32x768xf32, #tpu.memory_space<vmem>>
      %dma_wait3A_48 = tpu.memref_squeeze %dma_wait3A_47 : memref<1x32x768xf32, #tpu.memory_space<vmem>> -> memref<32x768xf32, #tpu.memory_space<vmem>>
      %dma_wait3A_49 = arith.constant 0 : i32
      %dma_wait3A_50 = tpu.memref_slice %arg7[%dma_wait3A, %dma_wait3A_49] : memref<2x32xi32, #tpu.memory_space<vmem>> -> memref<1x32xi32, #tpu.memory_space<vmem>>
      %dma_wait3A_51 = tpu.memref_squeeze %dma_wait3A_50 : memref<1x32xi32, #tpu.memory_space<vmem>> -> memref<32xi32, #tpu.memory_space<vmem>>
      %dma_wait3A_52 = arith.constant 0 : i32
      %dma_wait3A_53 = arith.constant 0 : i32
      %dma_wait3A_54 = tpu.memref_slice %arg2[%dma_wait3A_52, %dma_wait3A_53] : memref<8320x768xf32, #tpu.memory_space<hbm>> -> memref<8320x768xf32, #tpu.memory_space<hbm>>
      tpu.wait_indirect_dma semaphore(%arg11 : memref<!tpu.dma_semaphore, #tpu.memory_space<semaphore_mem>>) src(%dma_wait3A_54 : memref<8320x768xf32, #tpu.memory_space<hbm>>) dst(%dma_wait3A_48 : memref<32x768xf32, #tpu.memory_space<vmem>>)
      %dma_wait3A_55 = arith.constant 0 : i32
      %dma_wait3A_56 = arith.constant 0 : i32
      %dma_wait3A_57 = arith.constant 0 : i32
      %dma_wait3A_58 = arith.constant 0 : i32
      %dma_wait3A_59 = tpu.memref_slice %arg10[%dma_wait3A_56, %dma_wait3A_57, %dma_wait3A_58] : memref<2x32x768xf32, #tpu.memory_space<vmem>> -> memref<1x32x768xf32, #tpu.memory_space<vmem>>
      %dma_wait3A_60 = tpu.memref_squeeze %dma_wait3A_59 : memref<1x32x768xf32, #tpu.memory_space<vmem>> -> memref<32x768xf32, #tpu.memory_space<vmem>>
      %dma_wait3A_61 = arith.constant 0 : i32
      %dma_wait3A_62 = tpu.memref_slice %arg8[%dma_wait3A_55, %dma_wait3A_61] : memref<2x32xi32, #tpu.memory_space<vmem>> -> memref<1x32xi32, #tpu.memory_space<vmem>>
      %dma_wait3A_63 = tpu.memref_squeeze %dma_wait3A_62 : memref<1x32xi32, #tpu.memory_space<vmem>> -> memref<32xi32, #tpu.memory_space<vmem>>
      %dma_wait3A_64 = arith.constant 0 : i32
      %dma_wait3A_65 = arith.constant 0 : i32
      %dma_wait3A_66 = tpu.memref_slice %arg2[%dma_wait3A_64, %dma_wait3A_65] : memref<8320x768xf32, #tpu.memory_space<hbm>> -> memref<8320x768xf32, #tpu.memory_space<hbm>>
      tpu.wait_indirect_dma semaphore(%arg11 : memref<!tpu.dma_semaphore, #tpu.memory_space<semaphore_mem>>) src(%dma_wait3A_66 : memref<8320x768xf32, #tpu.memory_space<hbm>>) dst(%dma_wait3A_60 : memref<32x768xf32, #tpu.memory_space<vmem>>)
      %run_scoped3A_67 = arith.constant 0 : i32
      "tpu.region"() ({
        %run_scoped3A_83 = tpu.sem_alloc : memref<!tpu.dma_semaphore, #tpu.memory_space<semaphore_mem>>
        %dma_start3A_84 = arith.constant 0 : i32
        %dma_start3A_85 = arith.constant 0 : i32
        %dma_start3A_86 = tpu.memref_slice %arg9[%run_scoped3A_67, %dma_start3A_84, %dma_start3A_85] : memref<2x32x768xf32, #tpu.memory_space<vmem>> -> memref<1x32x768xf32, #tpu.memory_space<vmem>>
        %dma_start3A_87 = tpu.memref_squeeze %dma_start3A_86 : memref<1x32x768xf32, #tpu.memory_space<vmem>> -> memref<32x768xf32, #tpu.memory_space<vmem>>
        %dma_start3A_88 = arith.constant 0 : i32
        %dma_start3A_89 = tpu.memref_slice %arg5[%add3A_43, %dma_start3A_88] : memref<32768x768xf32, #tpu.memory_space<hbm>> -> memref<32x768xf32, #tpu.memory_space<hbm>>
        %dma_start3A_90 = arith.constant 0 : i32
        %dma_start3A_91 = tpu.memref_slice %arg5[%add3A_43, %dma_start3A_90] : memref<32768x768xf32, #tpu.memory_space<hbm>> -> memref<32x768xf32, #tpu.memory_space<hbm>>
        %dma_start3A_92 = arith.constant 0 : i32
        %dma_start3A_93 = arith.constant 0 : i32
        %dma_start3A_94 = tpu.memref_slice %arg9[%run_scoped3A_67, %dma_start3A_92, %dma_start3A_93] : memref<2x32x768xf32, #tpu.memory_space<vmem>> -> memref<1x32x768xf32, #tpu.memory_space<vmem>>
        %dma_start3A_95 = tpu.memref_squeeze %dma_start3A_94 : memref<1x32x768xf32, #tpu.memory_space<vmem>> -> memref<32x768xf32, #tpu.memory_space<vmem>>
        tpu.enqueue_dma source(%dma_start3A_95 : memref<32x768xf32, #tpu.memory_space<vmem>>) target(%dma_start3A_91 : memref<32x768xf32, #tpu.memory_space<hbm>>) target_semaphore(%run_scoped3A_83 : memref<!tpu.dma_semaphore, #tpu.memory_space<semaphore_mem>>)
        %dma_wait3A_96 = arith.constant 0 : i32
        %dma_wait3A_97 = arith.constant 0 : i32
        %dma_wait3A_98 = tpu.memref_slice %arg9[%run_scoped3A_67, %dma_wait3A_96, %dma_wait3A_97] : memref<2x32x768xf32, #tpu.memory_space<vmem>> -> memref<1x32x768xf32, #tpu.memory_space<vmem>>
        %dma_wait3A_99 = tpu.memref_squeeze %dma_wait3A_98 : memref<1x32x768xf32, #tpu.memory_space<vmem>> -> memref<32x768xf32, #tpu.memory_space<vmem>>
        %dma_wait3A_100 = arith.constant 0 : i32
        %dma_wait3A_101 = tpu.memref_slice %arg5[%add3A_43, %dma_wait3A_100] : memref<32768x768xf32, #tpu.memory_space<hbm>> -> memref<32x768xf32, #tpu.memory_space<hbm>>
        %dma_wait3A_102 = arith.constant 0 : i32
        %dma_wait3A_103 = tpu.memref_slice %arg5[%add3A_43, %dma_wait3A_102] : memref<32768x768xf32, #tpu.memory_space<hbm>> -> memref<32x768xf32, #tpu.memory_space<hbm>>
        %dma_wait3A_104 = arith.constant 0 : i32
        %dma_wait3A_105 = arith.constant 0 : i32
        %dma_wait3A_106 = tpu.memref_slice %arg9[%run_scoped3A_67, %dma_wait3A_104, %dma_wait3A_105] : memref<2x32x768xf32, #tpu.memory_space<vmem>> -> memref<1x32x768xf32, #tpu.memory_space<vmem>>
        %dma_wait3A_107 = tpu.memref_squeeze %dma_wait3A_106 : memref<1x32x768xf32, #tpu.memory_space<vmem>> -> memref<32x768xf32, #tpu.memory_space<vmem>>
        tpu.wait_dma2 semaphore(%run_scoped3A_83 : memref<!tpu.dma_semaphore, #tpu.memory_space<semaphore_mem>>) src(%dma_wait3A_107 : memref<32x768xf32, #tpu.memory_space<vmem>>) dst(%dma_wait3A_103 : memref<32x768xf32, #tpu.memory_space<hbm>>)
        tpu.yield
      }) : () -> ()
      %run_scoped3A_68 = arith.constant 0 : i32
      "tpu.region"() ({
        %run_scoped3A_83 = tpu.sem_alloc : memref<!tpu.dma_semaphore, #tpu.memory_space<semaphore_mem>>
        %dma_start3A_84 = arith.constant 0 : i32
        %dma_start3A_85 = arith.constant 0 : i32
        %dma_start3A_86 = tpu.memref_slice %arg10[%run_scoped3A_68, %dma_start3A_84, %dma_start3A_85] : memref<2x32x768xf32, #tpu.memory_space<vmem>> -> memref<1x32x768xf32, #tpu.memory_space<vmem>>
        %dma_start3A_87 = tpu.memref_squeeze %dma_start3A_86 : memref<1x32x768xf32, #tpu.memory_space<vmem>> -> memref<32x768xf32, #tpu.memory_space<vmem>>
        %dma_start3A_88 = arith.constant 0 : i32
        %dma_start3A_89 = tpu.memref_slice %arg6[%add3A_43, %dma_start3A_88] : memref<32768x768xf32, #tpu.memory_space<hbm>> -> memref<32x768xf32, #tpu.memory_space<hbm>>
        %dma_start3A_90 = arith.constant 0 : i32
        %dma_start3A_91 = tpu.memref_slice %arg6[%add3A_43, %dma_start3A_90] : memref<32768x768xf32, #tpu.memory_space<hbm>> -> memref<32x768xf32, #tpu.memory_space<hbm>>
        %dma_start3A_92 = arith.constant 0 : i32
        %dma_start3A_93 = arith.constant 0 : i32
        %dma_start3A_94 = tpu.memref_slice %arg10[%run_scoped3A_68, %dma_start3A_92, %dma_start3A_93] : memref<2x32x768xf32, #tpu.memory_space<vmem>> -> memref<1x32x768xf32, #tpu.memory_space<vmem>>
        %dma_start3A_95 = tpu.memref_squeeze %dma_start3A_94 : memref<1x32x768xf32, #tpu.memory_space<vmem>> -> memref<32x768xf32, #tpu.memory_space<vmem>>
        tpu.enqueue_dma source(%dma_start3A_95 : memref<32x768xf32, #tpu.memory_space<vmem>>) target(%dma_start3A_91 : memref<32x768xf32, #tpu.memory_space<hbm>>) target_semaphore(%run_scoped3A_83 : memref<!tpu.dma_semaphore, #tpu.memory_space<semaphore_mem>>)
        %dma_wait3A_96 = arith.constant 0 : i32
        %dma_wait3A_97 = arith.constant 0 : i32
        %dma_wait3A_98 = tpu.memref_slice %arg10[%run_scoped3A_68, %dma_wait3A_96, %dma_wait3A_97] : memref<2x32x768xf32, #tpu.memory_space<vmem>> -> memref<1x32x768xf32, #tpu.memory_space<vmem>>
        %dma_wait3A_99 = tpu.memref_squeeze %dma_wait3A_98 : memref<1x32x768xf32, #tpu.memory_space<vmem>> -> memref<32x768xf32, #tpu.memory_space<vmem>>
        %dma_wait3A_100 = arith.constant 0 : i32
        %dma_wait3A_101 = tpu.memref_slice %arg6[%add3A_43, %dma_wait3A_100] : memref<32768x768xf32, #tpu.memory_space<hbm>> -> memref<32x768xf32, #tpu.memory_space<hbm>>
        %dma_wait3A_102 = arith.constant 0 : i32
        %dma_wait3A_103 = tpu.memref_slice %arg6[%add3A_43, %dma_wait3A_102] : memref<32768x768xf32, #tpu.memory_space<hbm>> -> memref<32x768xf32, #tpu.memory_space<hbm>>
        %dma_wait3A_104 = arith.constant 0 : i32
        %dma_wait3A_105 = arith.constant 0 : i32
        %dma_wait3A_106 = tpu.memref_slice %arg10[%run_scoped3A_68, %dma_wait3A_104, %dma_wait3A_105] : memref<2x32x768xf32, #tpu.memory_space<vmem>> -> memref<1x32x768xf32, #tpu.memory_space<vmem>>
        %dma_wait3A_107 = tpu.memref_squeeze %dma_wait3A_106 : memref<1x32x768xf32, #tpu.memory_space<vmem>> -> memref<32x768xf32, #tpu.memory_space<vmem>>
        tpu.wait_dma2 semaphore(%run_scoped3A_83 : memref<!tpu.dma_semaphore, #tpu.memory_space<semaphore_mem>>) src(%dma_wait3A_107 : memref<32x768xf32, #tpu.memory_space<vmem>>) dst(%dma_wait3A_103 : memref<32x768xf32, #tpu.memory_space<hbm>>)
        tpu.yield
      }) : () -> ()
      %add3A_69 = arith.constant 2 : i32
      %add3A_70 = arith.addi %mul3A_36, %add3A_69 : i32
      %lt3A_71 = arith.constant 32 : i32
      %lt3A_72 = arith.cmpi slt, %add3A_70, %lt3A_71 : i32
      %convert_element_type3A_73 = arith.extui %lt3A_72 : i1 to i32
      %cond3A_74 = arith.constant 0 : i32
      %cond3A_75 = arith.cmpi ne, %convert_element_type3A_73, %cond3A_74 : i32
      scf.if %cond3A_75 {
        %add3A_83 = arith.constant 2 : i32
        %add3A_84 = arith.addi %mul3A_36, %add3A_83 : i32
        %mul3A_85 = arith.constant 32 : i32
        %mul3A_86 = arith.muli %add3A_84, %mul3A_85 : i32
        %add3A_87 = arith.addi %mul3A_2, %mul3A_86 : i32
        %run_scoped3A_88 = arith.constant 0 : i32
        "tpu.region"() ({
          %run_scoped3A_114 = tpu.sem_alloc : memref<!tpu.dma_semaphore, #tpu.memory_space<semaphore_mem>>
          %dma_start3A_115 = arith.constant 0 : i32
          %dma_start3A_116 = tpu.memref_slice %arg7[%run_scoped3A_88, %dma_start3A_115] : memref<2x32xi32, #tpu.memory_space<vmem>> -> memref<1x32xi32, #tpu.memory_space<vmem>>
          %dma_start3A_117 = tpu.memref_squeeze %dma_start3A_116 : memref<1x32xi32, #tpu.memory_space<vmem>> -> memref<32xi32, #tpu.memory_space<vmem>>
          %dma_start3A_118 = tpu.memref_slice %arg3[%add3A_87] : memref<32768xi32, #tpu.memory_space<hbm>> -> memref<32xi32, #tpu.memory_space<hbm>>
          %dma_start3A_119 = arith.constant 0 : i32
          %dma_start3A_120 = tpu.memref_slice %arg7[%run_scoped3A_88, %dma_start3A_119] : memref<2x32xi32, #tpu.memory_space<vmem>> -> memref<1x32xi32, #tpu.memory_space<vmem>>
          %dma_start3A_121 = tpu.memref_squeeze %dma_start3A_120 : memref<1x32xi32, #tpu.memory_space<vmem>> -> memref<32xi32, #tpu.memory_space<vmem>>
          %dma_start3A_122 = tpu.memref_slice %arg3[%add3A_87] : memref<32768xi32, #tpu.memory_space<hbm>> -> memref<32xi32, #tpu.memory_space<hbm>>
          tpu.enqueue_dma source(%dma_start3A_122 : memref<32xi32, #tpu.memory_space<hbm>>) target(%dma_start3A_121 : memref<32xi32, #tpu.memory_space<vmem>>) target_semaphore(%run_scoped3A_114 : memref<!tpu.dma_semaphore, #tpu.memory_space<semaphore_mem>>)
          %dma_wait3A_123 = arith.constant 0 : i32
          %dma_wait3A_124 = tpu.memref_slice %arg7[%run_scoped3A_88, %dma_wait3A_123] : memref<2x32xi32, #tpu.memory_space<vmem>> -> memref<1x32xi32, #tpu.memory_space<vmem>>
          %dma_wait3A_125 = tpu.memref_squeeze %dma_wait3A_124 : memref<1x32xi32, #tpu.memory_space<vmem>> -> memref<32xi32, #tpu.memory_space<vmem>>
          %dma_wait3A_126 = tpu.memref_slice %arg3[%add3A_87] : memref<32768xi32, #tpu.memory_space<hbm>> -> memref<32xi32, #tpu.memory_space<hbm>>
          %dma_wait3A_127 = arith.constant 0 : i32
          %dma_wait3A_128 = tpu.memref_slice %arg7[%run_scoped3A_88, %dma_wait3A_127] : memref<2x32xi32, #tpu.memory_space<vmem>> -> memref<1x32xi32, #tpu.memory_space<vmem>>
          %dma_wait3A_129 = tpu.memref_squeeze %dma_wait3A_128 : memref<1x32xi32, #tpu.memory_space<vmem>> -> memref<32xi32, #tpu.memory_space<vmem>>
          %dma_wait3A_130 = tpu.memref_slice %arg3[%add3A_87] : memref<32768xi32, #tpu.memory_space<hbm>> -> memref<32xi32, #tpu.memory_space<hbm>>
          tpu.wait_dma2 semaphore(%run_scoped3A_114 : memref<!tpu.dma_semaphore, #tpu.memory_space<semaphore_mem>>) src(%dma_wait3A_130 : memref<32xi32, #tpu.memory_space<hbm>>) dst(%dma_wait3A_129 : memref<32xi32, #tpu.memory_space<vmem>>)
          tpu.yield
        }) : () -> ()
        %run_scoped3A_89 = arith.constant 0 : i32
        "tpu.region"() ({
          %run_scoped3A_114 = tpu.sem_alloc : memref<!tpu.dma_semaphore, #tpu.memory_space<semaphore_mem>>
          %dma_start3A_115 = arith.constant 0 : i32
          %dma_start3A_116 = tpu.memref_slice %arg8[%run_scoped3A_89, %dma_start3A_115] : memref<2x32xi32, #tpu.memory_space<vmem>> -> memref<1x32xi32, #tpu.memory_space<vmem>>
          %dma_start3A_117 = tpu.memref_squeeze %dma_start3A_116 : memref<1x32xi32, #tpu.memory_space<vmem>> -> memref<32xi32, #tpu.memory_space<vmem>>
          %dma_start3A_118 = tpu.memref_slice %arg4[%add3A_87] : memref<32768xi32, #tpu.memory_space<hbm>> -> memref<32xi32, #tpu.memory_space<hbm>>
          %dma_start3A_119 = arith.constant 0 : i32
          %dma_start3A_120 = tpu.memref_slice %arg8[%run_scoped3A_89, %dma_start3A_119] : memref<2x32xi32, #tpu.memory_space<vmem>> -> memref<1x32xi32, #tpu.memory_space<vmem>>
          %dma_start3A_121 = tpu.memref_squeeze %dma_start3A_120 : memref<1x32xi32, #tpu.memory_space<vmem>> -> memref<32xi32, #tpu.memory_space<vmem>>
          %dma_start3A_122 = tpu.memref_slice %arg4[%add3A_87] : memref<32768xi32, #tpu.memory_space<hbm>> -> memref<32xi32, #tpu.memory_space<hbm>>
          tpu.enqueue_dma source(%dma_start3A_122 : memref<32xi32, #tpu.memory_space<hbm>>) target(%dma_start3A_121 : memref<32xi32, #tpu.memory_space<vmem>>) target_semaphore(%run_scoped3A_114 : memref<!tpu.dma_semaphore, #tpu.memory_space<semaphore_mem>>)
          %dma_wait3A_123 = arith.constant 0 : i32
          %dma_wait3A_124 = tpu.memref_slice %arg8[%run_scoped3A_89, %dma_wait3A_123] : memref<2x32xi32, #tpu.memory_space<vmem>> -> memref<1x32xi32, #tpu.memory_space<vmem>>
          %dma_wait3A_125 = tpu.memref_squeeze %dma_wait3A_124 : memref<1x32xi32, #tpu.memory_space<vmem>> -> memref<32xi32, #tpu.memory_space<vmem>>
          %dma_wait3A_126 = tpu.memref_slice %arg4[%add3A_87] : memref<32768xi32, #tpu.memory_space<hbm>> -> memref<32xi32, #tpu.memory_space<hbm>>
          %dma_wait3A_127 = arith.constant 0 : i32
          %dma_wait3A_128 = tpu.memref_slice %arg8[%run_scoped3A_89, %dma_wait3A_127] : memref<2x32xi32, #tpu.memory_space<vmem>> -> memref<1x32xi32, #tpu.memory_space<vmem>>
          %dma_wait3A_129 = tpu.memref_squeeze %dma_wait3A_128 : memref<1x32xi32, #tpu.memory_space<vmem>> -> memref<32xi32, #tpu.memory_space<vmem>>
          %dma_wait3A_130 = tpu.memref_slice %arg4[%add3A_87] : memref<32768xi32, #tpu.memory_space<hbm>> -> memref<32xi32, #tpu.memory_space<hbm>>
          tpu.wait_dma2 semaphore(%run_scoped3A_114 : memref<!tpu.dma_semaphore, #tpu.memory_space<semaphore_mem>>) src(%dma_wait3A_130 : memref<32xi32, #tpu.memory_space<hbm>>) dst(%dma_wait3A_129 : memref<32xi32, #tpu.memory_space<vmem>>)
          tpu.yield
        }) : () -> ()
        %dma_start3A_90 = arith.constant 0 : i32
        %dma_start3A_91 = arith.constant 0 : i32
        %dma_start3A_92 = arith.constant 0 : i32
        %dma_start3A_93 = arith.constant 0 : i32
        %dma_start3A_94 = tpu.memref_slice %arg9[%dma_start3A_91, %dma_start3A_92, %dma_start3A_93] : memref<2x32x768xf32, #tpu.memory_space<vmem>> -> memref<1x32x768xf32, #tpu.memory_space<vmem>>
        %dma_start3A_95 = tpu.memref_squeeze %dma_start3A_94 : memref<1x32x768xf32, #tpu.memory_space<vmem>> -> memref<32x768xf32, #tpu.memory_space<vmem>>
        %dma_start3A_96 = arith.constant 0 : i32
        %dma_start3A_97 = tpu.memref_slice %arg7[%dma_start3A_90, %dma_start3A_96] : memref<2x32xi32, #tpu.memory_space<vmem>> -> memref<1x32xi32, #tpu.memory_space<vmem>>
        %dma_start3A_98 = tpu.memref_squeeze %dma_start3A_97 : memref<1x32xi32, #tpu.memory_space<vmem>> -> memref<32xi32, #tpu.memory_space<vmem>>
        %dma_start3A_99 = arith.constant 0 : i32
        %dma_start3A_100 = arith.constant 0 : i32
        %dma_start3A_101 = tpu.memref_slice %arg2[%dma_start3A_99, %dma_start3A_100] : memref<8320x768xf32, #tpu.memory_space<hbm>> -> memref<8320x768xf32, #tpu.memory_space<hbm>>
        tpu.enqueue_indirect_dma source(%dma_start3A_101 : memref<8320x768xf32, #tpu.memory_space<hbm>>) target(%dma_start3A_95 : memref<32x768xf32, #tpu.memory_space<vmem>>) offsets(%dma_start3A_98 : memref<32xi32, #tpu.memory_space<vmem>>) semaphore(%arg11 : memref<!tpu.dma_semaphore, #tpu.memory_space<semaphore_mem>>)
        %dma_start3A_102 = arith.constant 0 : i32
        %dma_start3A_103 = arith.constant 0 : i32
        %dma_start3A_104 = arith.constant 0 : i32
        %dma_start3A_105 = arith.constant 0 : i32
        %dma_start3A_106 = tpu.memref_slice %arg10[%dma_start3A_103, %dma_start3A_104, %dma_start3A_105] : memref<2x32x768xf32, #tpu.memory_space<vmem>> -> memref<1x32x768xf32, #tpu.memory_space<vmem>>
        %dma_start3A_107 = tpu.memref_squeeze %dma_start3A_106 : memref<1x32x768xf32, #tpu.memory_space<vmem>> -> memref<32x768xf32, #tpu.memory_space<vmem>>
        %dma_start3A_108 = arith.constant 0 : i32
        %dma_start3A_109 = tpu.memref_slice %arg8[%dma_start3A_102, %dma_start3A_108] : memref<2x32xi32, #tpu.memory_space<vmem>> -> memref<1x32xi32, #tpu.memory_space<vmem>>
        %dma_start3A_110 = tpu.memref_squeeze %dma_start3A_109 : memref<1x32xi32, #tpu.memory_space<vmem>> -> memref<32xi32, #tpu.memory_space<vmem>>
        %dma_start3A_111 = arith.constant 0 : i32
        %dma_start3A_112 = arith.constant 0 : i32
        %dma_start3A_113 = tpu.memref_slice %arg2[%dma_start3A_111, %dma_start3A_112] : memref<8320x768xf32, #tpu.memory_space<hbm>> -> memref<8320x768xf32, #tpu.memory_space<hbm>>
        tpu.enqueue_indirect_dma source(%dma_start3A_113 : memref<8320x768xf32, #tpu.memory_space<hbm>>) target(%dma_start3A_107 : memref<32x768xf32, #tpu.memory_space<vmem>>) offsets(%dma_start3A_110 : memref<32xi32, #tpu.memory_space<vmem>>) semaphore(%arg11 : memref<!tpu.dma_semaphore, #tpu.memory_space<semaphore_mem>>)
      } else {
      }
      %add3A_76 = arith.constant 1 : i32
      %add3A_77 = arith.addi %mul3A_36, %add3A_76 : i32
      %lt3A_78 = arith.constant 32 : i32
      %lt3A_79 = arith.cmpi slt, %add3A_77, %lt3A_78 : i32
      %convert_element_type3A_80 = arith.extui %lt3A_79 : i1 to i32
      %cond3A_81 = arith.constant 0 : i32
      %cond3A_82 = arith.cmpi ne, %convert_element_type3A_80, %cond3A_81 : i32
      scf.if %cond3A_82 {
        %add3A_83 = arith.constant 1 : i32
        %add3A_84 = arith.addi %mul3A_36, %add3A_83 : i32
        %mul3A_85 = arith.constant 32 : i32
        %mul3A_86 = arith.muli %add3A_84, %mul3A_85 : i32
        %add3A_87 = arith.addi %mul3A_2, %mul3A_86 : i32
        %dma_wait3A_88 = arith.constant 1 : i32
        %dma_wait3A_89 = arith.constant 1 : i32
        %dma_wait3A_90 = arith.constant 0 : i32
        %dma_wait3A_91 = arith.constant 0 : i32
        %dma_wait3A_92 = tpu.memref_slice %arg9[%dma_wait3A_89, %dma_wait3A_90, %dma_wait3A_91] : memref<2x32x768xf32, #tpu.memory_space<vmem>> -> memref<1x32x768xf32, #tpu.memory_space<vmem>>
        %dma_wait3A_93 = tpu.memref_squeeze %dma_wait3A_92 : memref<1x32x768xf32, #tpu.memory_space<vmem>> -> memref<32x768xf32, #tpu.memory_space<vmem>>
        %dma_wait3A_94 = arith.constant 0 : i32
        %dma_wait3A_95 = tpu.memref_slice %arg7[%dma_wait3A_88, %dma_wait3A_94] : memref<2x32xi32, #tpu.memory_space<vmem>> -> memref<1x32xi32, #tpu.memory_space<vmem>>
        %dma_wait3A_96 = tpu.memref_squeeze %dma_wait3A_95 : memref<1x32xi32, #tpu.memory_space<vmem>> -> memref<32xi32, #tpu.memory_space<vmem>>
        %dma_wait3A_97 = arith.constant 0 : i32
        %dma_wait3A_98 = arith.constant 0 : i32
        %dma_wait3A_99 = tpu.memref_slice %arg2[%dma_wait3A_97, %dma_wait3A_98] : memref<8320x768xf32, #tpu.memory_space<hbm>> -> memref<8320x768xf32, #tpu.memory_space<hbm>>
        tpu.wait_indirect_dma semaphore(%arg12 : memref<!tpu.dma_semaphore, #tpu.memory_space<semaphore_mem>>) src(%dma_wait3A_99 : memref<8320x768xf32, #tpu.memory_space<hbm>>) dst(%dma_wait3A_93 : memref<32x768xf32, #tpu.memory_space<vmem>>)
        %dma_wait3A_100 = arith.constant 1 : i32
        %dma_wait3A_101 = arith.constant 1 : i32
        %dma_wait3A_102 = arith.constant 0 : i32
        %dma_wait3A_103 = arith.constant 0 : i32
        %dma_wait3A_104 = tpu.memref_slice %arg10[%dma_wait3A_101, %dma_wait3A_102, %dma_wait3A_103] : memref<2x32x768xf32, #tpu.memory_space<vmem>> -> memref<1x32x768xf32, #tpu.memory_space<vmem>>
        %dma_wait3A_105 = tpu.memref_squeeze %dma_wait3A_104 : memref<1x32x768xf32, #tpu.memory_space<vmem>> -> memref<32x768xf32, #tpu.memory_space<vmem>>
        %dma_wait3A_106 = arith.constant 0 : i32
        %dma_wait3A_107 = tpu.memref_slice %arg8[%dma_wait3A_100, %dma_wait3A_106] : memref<2x32xi32, #tpu.memory_space<vmem>> -> memref<1x32xi32, #tpu.memory_space<vmem>>
        %dma_wait3A_108 = tpu.memref_squeeze %dma_wait3A_107 : memref<1x32xi32, #tpu.memory_space<vmem>> -> memref<32xi32, #tpu.memory_space<vmem>>
        %dma_wait3A_109 = arith.constant 0 : i32
        %dma_wait3A_110 = arith.constant 0 : i32
        %dma_wait3A_111 = tpu.memref_slice %arg2[%dma_wait3A_109, %dma_wait3A_110] : memref<8320x768xf32, #tpu.memory_space<hbm>> -> memref<8320x768xf32, #tpu.memory_space<hbm>>
        tpu.wait_indirect_dma semaphore(%arg12 : memref<!tpu.dma_semaphore, #tpu.memory_space<semaphore_mem>>) src(%dma_wait3A_111 : memref<8320x768xf32, #tpu.memory_space<hbm>>) dst(%dma_wait3A_105 : memref<32x768xf32, #tpu.memory_space<vmem>>)
        %run_scoped3A_112 = arith.constant 1 : i32
        "tpu.region"() ({
          %run_scoped3A_114 = tpu.sem_alloc : memref<!tpu.dma_semaphore, #tpu.memory_space<semaphore_mem>>
          %dma_start3A_115 = arith.constant 0 : i32
          %dma_start3A_116 = arith.constant 0 : i32
          %dma_start3A_117 = tpu.memref_slice %arg9[%run_scoped3A_112, %dma_start3A_115, %dma_start3A_116] : memref<2x32x768xf32, #tpu.memory_space<vmem>> -> memref<1x32x768xf32, #tpu.memory_space<vmem>>
          %dma_start3A_118 = tpu.memref_squeeze %dma_start3A_117 : memref<1x32x768xf32, #tpu.memory_space<vmem>> -> memref<32x768xf32, #tpu.memory_space<vmem>>
          %dma_start3A_119 = arith.constant 0 : i32
          %dma_start3A_120 = tpu.memref_slice %arg5[%add3A_87, %dma_start3A_119] : memref<32768x768xf32, #tpu.memory_space<hbm>> -> memref<32x768xf32, #tpu.memory_space<hbm>>
          %dma_start3A_121 = arith.constant 0 : i32
          %dma_start3A_122 = tpu.memref_slice %arg5[%add3A_87, %dma_start3A_121] : memref<32768x768xf32, #tpu.memory_space<hbm>> -> memref<32x768xf32, #tpu.memory_space<hbm>>
          %dma_start3A_123 = arith.constant 0 : i32
          %dma_start3A_124 = arith.constant 0 : i32
          %dma_start3A_125 = tpu.memref_slice %arg9[%run_scoped3A_112, %dma_start3A_123, %dma_start3A_124] : memref<2x32x768xf32, #tpu.memory_space<vmem>> -> memref<1x32x768xf32, #tpu.memory_space<vmem>>
          %dma_start3A_126 = tpu.memref_squeeze %dma_start3A_125 : memref<1x32x768xf32, #tpu.memory_space<vmem>> -> memref<32x768xf32, #tpu.memory_space<vmem>>
          tpu.enqueue_dma source(%dma_start3A_126 : memref<32x768xf32, #tpu.memory_space<vmem>>) target(%dma_start3A_122 : memref<32x768xf32, #tpu.memory_space<hbm>>) target_semaphore(%run_scoped3A_114 : memref<!tpu.dma_semaphore, #tpu.memory_space<semaphore_mem>>)
          %dma_wait3A_127 = arith.constant 0 : i32
          %dma_wait3A_128 = arith.constant 0 : i32
          %dma_wait3A_129 = tpu.memref_slice %arg9[%run_scoped3A_112, %dma_wait3A_127, %dma_wait3A_128] : memref<2x32x768xf32, #tpu.memory_space<vmem>> -> memref<1x32x768xf32, #tpu.memory_space<vmem>>
          %dma_wait3A_130 = tpu.memref_squeeze %dma_wait3A_129 : memref<1x32x768xf32, #tpu.memory_space<vmem>> -> memref<32x768xf32, #tpu.memory_space<vmem>>
          %dma_wait3A_131 = arith.constant 0 : i32
          %dma_wait3A_132 = tpu.memref_slice %arg5[%add3A_87, %dma_wait3A_131] : memref<32768x768xf32, #tpu.memory_space<hbm>> -> memref<32x768xf32, #tpu.memory_space<hbm>>
          %dma_wait3A_133 = arith.constant 0 : i32
          %dma_wait3A_134 = tpu.memref_slice %arg5[%add3A_87, %dma_wait3A_133] : memref<32768x768xf32, #tpu.memory_space<hbm>> -> memref<32x768xf32, #tpu.memory_space<hbm>>
          %dma_wait3A_135 = arith.constant 0 : i32
          %dma_wait3A_136 = arith.constant 0 : i32
          %dma_wait3A_137 = tpu.memref_slice %arg9[%run_scoped3A_112, %dma_wait3A_135, %dma_wait3A_136] : memref<2x32x768xf32, #tpu.memory_space<vmem>> -> memref<1x32x768xf32, #tpu.memory_space<vmem>>
          %dma_wait3A_138 = tpu.memref_squeeze %dma_wait3A_137 : memref<1x32x768xf32, #tpu.memory_space<vmem>> -> memref<32x768xf32, #tpu.memory_space<vmem>>
          tpu.wait_dma2 semaphore(%run_scoped3A_114 : memref<!tpu.dma_semaphore, #tpu.memory_space<semaphore_mem>>) src(%dma_wait3A_138 : memref<32x768xf32, #tpu.memory_space<vmem>>) dst(%dma_wait3A_134 : memref<32x768xf32, #tpu.memory_space<hbm>>)
          tpu.yield
        }) : () -> ()
        %run_scoped3A_113 = arith.constant 1 : i32
        "tpu.region"() ({
          %run_scoped3A_114 = tpu.sem_alloc : memref<!tpu.dma_semaphore, #tpu.memory_space<semaphore_mem>>
          %dma_start3A_115 = arith.constant 0 : i32
          %dma_start3A_116 = arith.constant 0 : i32
          %dma_start3A_117 = tpu.memref_slice %arg10[%run_scoped3A_113, %dma_start3A_115, %dma_start3A_116] : memref<2x32x768xf32, #tpu.memory_space<vmem>> -> memref<1x32x768xf32, #tpu.memory_space<vmem>>
          %dma_start3A_118 = tpu.memref_squeeze %dma_start3A_117 : memref<1x32x768xf32, #tpu.memory_space<vmem>> -> memref<32x768xf32, #tpu.memory_space<vmem>>
          %dma_start3A_119 = arith.constant 0 : i32
          %dma_start3A_120 = tpu.memref_slice %arg6[%add3A_87, %dma_start3A_119] : memref<32768x768xf32, #tpu.memory_space<hbm>> -> memref<32x768xf32, #tpu.memory_space<hbm>>
          %dma_start3A_121 = arith.constant 0 : i32
          %dma_start3A_122 = tpu.memref_slice %arg6[%add3A_87, %dma_start3A_121] : memref<32768x768xf32, #tpu.memory_space<hbm>> -> memref<32x768xf32, #tpu.memory_space<hbm>>
          %dma_start3A_123 = arith.constant 0 : i32
          %dma_start3A_124 = arith.constant 0 : i32
          %dma_start3A_125 = tpu.memref_slice %arg10[%run_scoped3A_113, %dma_start3A_123, %dma_start3A_124] : memref<2x32x768xf32, #tpu.memory_space<vmem>> -> memref<1x32x768xf32, #tpu.memory_space<vmem>>
          %dma_start3A_126 = tpu.memref_squeeze %dma_start3A_125 : memref<1x32x768xf32, #tpu.memory_space<vmem>> -> memref<32x768xf32, #tpu.memory_space<vmem>>
          tpu.enqueue_dma source(%dma_start3A_126 : memref<32x768xf32, #tpu.memory_space<vmem>>) target(%dma_start3A_122 : memref<32x768xf32, #tpu.memory_space<hbm>>) target_semaphore(%run_scoped3A_114 : memref<!tpu.dma_semaphore, #tpu.memory_space<semaphore_mem>>)
          %dma_wait3A_127 = arith.constant 0 : i32
          %dma_wait3A_128 = arith.constant 0 : i32
          %dma_wait3A_129 = tpu.memref_slice %arg10[%run_scoped3A_113, %dma_wait3A_127, %dma_wait3A_128] : memref<2x32x768xf32, #tpu.memory_space<vmem>> -> memref<1x32x768xf32, #tpu.memory_space<vmem>>
          %dma_wait3A_130 = tpu.memref_squeeze %dma_wait3A_129 : memref<1x32x768xf32, #tpu.memory_space<vmem>> -> memref<32x768xf32, #tpu.memory_space<vmem>>
          %dma_wait3A_131 = arith.constant 0 : i32
          %dma_wait3A_132 = tpu.memref_slice %arg6[%add3A_87, %dma_wait3A_131] : memref<32768x768xf32, #tpu.memory_space<hbm>> -> memref<32x768xf32, #tpu.memory_space<hbm>>
          %dma_wait3A_133 = arith.constant 0 : i32
          %dma_wait3A_134 = tpu.memref_slice %arg6[%add3A_87, %dma_wait3A_133] : memref<32768x768xf32, #tpu.memory_space<hbm>> -> memref<32x768xf32, #tpu.memory_space<hbm>>
          %dma_wait3A_135 = arith.constant 0 : i32
          %dma_wait3A_136 = arith.constant 0 : i32
          %dma_wait3A_137 = tpu.memref_slice %arg10[%run_scoped3A_113, %dma_wait3A_135, %dma_wait3A_136] : memref<2x32x768xf32, #tpu.memory_space<vmem>> -> memref<1x32x768xf32, #tpu.memory_space<vmem>>
          %dma_wait3A_138 = tpu.memref_squeeze %dma_wait3A_137 : memref<1x32x768xf32, #tpu.memory_space<vmem>> -> memref<32x768xf32, #tpu.memory_space<vmem>>
          tpu.wait_dma2 semaphore(%run_scoped3A_114 : memref<!tpu.dma_semaphore, #tpu.memory_space<semaphore_mem>>) src(%dma_wait3A_138 : memref<32x768xf32, #tpu.memory_space<vmem>>) dst(%dma_wait3A_134 : memref<32x768xf32, #tpu.memory_space<hbm>>)
          tpu.yield
        }) : () -> ()
      } else {
      }
    }
    %scan3A_33 = arith.constant 16 : i32
    return
  }
}

module attributes {stable_mosaic.version = 14 : i64} {
  func.func @_gate_body(%arg0: i32, %arg1: memref<1024x768xf32, #tpu.memory_space<vmem>>, %arg2: memref<768x64xf32, #tpu.memory_space<vmem>>, %arg3: memref<1x1x64xf32, #tpu.memory_space<vmem>>, %arg4: memref<1024xf32, #tpu.memory_space<vmem>>, %arg5: memref<1024xi32, #tpu.memory_space<vmem>>, %arg6: memref<1024xi32, #tpu.memory_space<vmem>>) attributes {dimension_semantics = [#tpu.dimension_semantics<arbitrary>], iteration_bounds = array<i64: 32>, scalar_prefetch = 0 : i64, scratch_operands = 0 : i64, tpu.core_type = #tpu.core_type<tc>, window_params = [{transform_indices = @transform_0, window_bounds = array<i64: 1024, 768>}, {pipeline_mode = #tpu.pipeline_mode<synchronous>, transform_indices = @transform_1, window_bounds = array<i64: 768, 64>}, {pipeline_mode = #tpu.pipeline_mode<synchronous>, transform_indices = @transform_2, window_bounds = array<i64: 1, 1, 64>}, {transform_indices = @transform_3, window_bounds = array<i64: 1024>}, {transform_indices = @transform_4, window_bounds = array<i64: 1024>}, {transform_indices = @transform_5, window_bounds = array<i64: 1024>}]} {
    %get3A = arith.constant 0 : index
    %get3A_0 = arith.constant 0 : index
    %get3A_1 = vector.load %arg1[%get3A, %get3A_0] : memref<1024x768xf32, #tpu.memory_space<vmem>>, vector<1024x768xf32>
    %get3A_2 = arith.constant 0 : index
    %get3A_3 = arith.constant 0 : index
    %get3A_4 = vector.load %arg2[%get3A_2, %get3A_3] : memref<768x64xf32, #tpu.memory_space<vmem>>, vector<768x64xf32>
    %dot_general3A = arith.constant dense<0.000000e+00> : vector<1024x64xf32>
    %dot_general3A_5 = tpu.matmul %get3A_1, %get3A_4, %dot_general3A {dimension_numbers = #tpu.dot_dimension_numbers<[1], [0], [0], [1], [0, 0, 1, 1], [], []>, transpose_lhs_hint = false} : vector<1024x768xf32>, vector<768x64xf32>, vector<1024x64xf32> -> vector<1024x64xf32>
    %get3A_6 = arith.constant 0 : index
    %get3A_7 = arith.constant 0 : index
    %get3A_8 = arith.constant 0 : index
    %get3A_9 = vector.load %arg3[%get3A_6, %get3A_7, %get3A_8] : memref<1x1x64xf32, #tpu.memory_space<vmem>>, vector<1x1x64xf32>
    %get3A_10 = vector.shape_cast %get3A_9 : vector<1x1x64xf32> to vector<64xf32>
    %broadcast_in_dim3A = vector.shape_cast %get3A_10 : vector<64xf32> to vector<1x64xf32>
    %add3A = vector.broadcast %broadcast_in_dim3A : vector<1x64xf32> to vector<1024x64xf32>
    %add3A_11 = arith.addf %dot_general3A_5, %add3A : vector<1024x64xf32>
    %iota3A = tpu.iota {dimensions = array<i32: 1>} : vector<1024x64xi32>
    %reduce_max3A = arith.constant dense<0xFF800000> : vector<1024xf32>
    %reduce_max3A_12 = vector.multi_reduction <maximumf>, %add3A_11, %reduce_max3A [1] : vector<1024x64xf32> to vector<1024xf32>
    %broadcast_in_dim3A_13 = vector.shape_cast %reduce_max3A_12 : vector<1024xf32> to vector<1024x1xf32>
    %eq3A = vector.broadcast %broadcast_in_dim3A_13 : vector<1024x1xf32> to vector<1024x64xf32>
    %eq3A_14 = arith.cmpf oeq, %add3A_11, %eq3A : vector<1024x64xf32>
    %jit3A = arith.constant 64 : i32
    %broadcast_in_dim3A_15 = vector.broadcast %jit3A : i32 to vector<1024x64xi32>
    %select_n3A = arith.select %eq3A_14, %iota3A, %broadcast_in_dim3A_15 : vector<1024x64xi1>, vector<1024x64xi32>
    %reduce_min3A = arith.constant dense<2147483647> : vector<1024xi32>
    %reduce_min3A_16 = vector.multi_reduction <minsi>, %select_n3A, %reduce_min3A [1] : vector<1024x64xi32> to vector<1024xi32>
    %broadcast_in_dim3A_17 = vector.shape_cast %reduce_min3A_16 : vector<1024xi32> to vector<1024x1xi32>
    %eq3A_18 = vector.broadcast %broadcast_in_dim3A_17 : vector<1024x1xi32> to vector<1024x64xi32>
    %eq3A_19 = arith.cmpi eq, %iota3A, %eq3A_18 : vector<1024x64xi32>
    %jit3A_20 = arith.constant 0xFF800000 : f32
    %broadcast_in_dim3A_21 = vector.broadcast %jit3A_20 : f32 to vector<1024x64xf32>
    %select_n3A_22 = arith.select %eq3A_19, %broadcast_in_dim3A_21, %add3A_11 : vector<1024x64xi1>, vector<1024x64xf32>
    %reduce_max3A_23 = arith.constant dense<0xFF800000> : vector<1024xf32>
    %reduce_max3A_24 = vector.multi_reduction <maximumf>, %select_n3A_22, %reduce_max3A_23 [1] : vector<1024x64xf32> to vector<1024xf32>
    %broadcast_in_dim3A_25 = vector.shape_cast %reduce_max3A_24 : vector<1024xf32> to vector<1024x1xf32>
    %eq3A_26 = vector.broadcast %broadcast_in_dim3A_25 : vector<1024x1xf32> to vector<1024x64xf32>
    %eq3A_27 = arith.cmpf oeq, %select_n3A_22, %eq3A_26 : vector<1024x64xf32>
    %broadcast_in_dim3A_28 = vector.shape_cast %reduce_min3A_16 : vector<1024xi32> to vector<1024x1xi32>
    %ne3A = vector.broadcast %broadcast_in_dim3A_28 : vector<1024x1xi32> to vector<1024x64xi32>
    %ne3A_29 = arith.cmpi ne, %iota3A, %ne3A : vector<1024x64xi32>
    %and3A = arith.andi %eq3A_27, %ne3A_29 : vector<1024x64xi1>
    %jit3A_30 = arith.constant 64 : i32
    %broadcast_in_dim3A_31 = vector.broadcast %jit3A_30 : i32 to vector<1024x64xi32>
    %select_n3A_32 = arith.select %and3A, %iota3A, %broadcast_in_dim3A_31 : vector<1024x64xi1>, vector<1024x64xi32>
    %reduce_min3A_33 = arith.constant dense<2147483647> : vector<1024xi32>
    %reduce_min3A_34 = vector.multi_reduction <minsi>, %select_n3A_32, %reduce_min3A_33 [1] : vector<1024x64xi32> to vector<1024xi32>
    %sub3A = arith.subf %reduce_max3A_24, %reduce_max3A_12 : vector<1024xf32>
    %exp3A = math.exp %sub3A : vector<1024xf32>
    %add3A_35 = arith.constant 1.000000e+00 : f32
    %add3A_36 = vector.broadcast %add3A_35 : f32 to vector<1024xf32>
    %add3A_37 = arith.addf %add3A_36, %exp3A : vector<1024xf32>
    %div3A = arith.constant 1.000000e+00 : f32
    %div3A_38 = vector.broadcast %div3A : f32 to vector<1024xf32>
    %div3A_39 = arith.divf %div3A_38, %add3A_37 : vector<1024xf32>
    %swap3A = arith.constant 0 : index
    %swap3A_40 = vector.load %arg4[%swap3A] : memref<1024xf32, #tpu.memory_space<vmem>>, vector<1024xf32>
    tpu.vector_store %arg4[%swap3A], %div3A_39 {strides = array<i32>} : memref<1024xf32, #tpu.memory_space<vmem>>, vector<1024xf32>,
    %swap3A_41 = arith.constant 0 : index
    %swap3A_42 = vector.load %arg5[%swap3A_41] : memref<1024xi32, #tpu.memory_space<vmem>>, vector<1024xi32>
    tpu.vector_store %arg5[%swap3A_41], %reduce_min3A_16 {strides = array<i32>} : memref<1024xi32, #tpu.memory_space<vmem>>, vector<1024xi32>,
    %swap3A_43 = arith.constant 0 : index
    %swap3A_44 = vector.load %arg6[%swap3A_43] : memref<1024xi32, #tpu.memory_space<vmem>>, vector<1024xi32>
    tpu.vector_store %arg6[%swap3A_43], %reduce_min3A_34 {strides = array<i32>} : memref<1024xi32, #tpu.memory_space<vmem>>, vector<1024xi32>,
    return
  }
  func.func @transform_0(%arg0: i32) -> (i32, i32) {
    %c0_i32 = arith.constant 0 : i32
    %c0_i32_0 = arith.constant 0 : i32
    return %arg0, %c0_i32 : i32, i32
  }
  func.func @transform_1(%arg0: i32) -> (i32, i32) {
    %c0_i32 = arith.constant 0 : i32
    %c0_i32_0 = arith.constant 0 : i32
    %c0_i32_1 = arith.constant 0 : i32
    return %c0_i32, %c0_i32_0 : i32, i32
  }
  func.func @transform_2(%arg0: i32) -> (i32, i32, i32) {
    %c0_i32 = arith.constant 0 : i32
    %c0_i32_0 = arith.constant 0 : i32
    %c0_i32_1 = arith.constant 0 : i32
    %c0_i32_2 = arith.constant 0 : i32
    return %c0_i32, %c0_i32_0, %c0_i32_1 : i32, i32, i32
  }
  func.func @transform_3(%arg0: i32) -> i32 {
    %c0_i32 = arith.constant 0 : i32
    return %arg0 : i32
  }
  func.func @transform_4(%arg0: i32) -> i32 {
    %c0_i32 = arith.constant 0 : i32
    return %arg0 : i32
  }
  func.func @transform_5(%arg0: i32) -> i32 {
    %c0_i32 = arith.constant 0 : i32
    return %arg0 : i32
  }
}

module attributes {stable_mosaic.version = 14 : i64} {
  func.func @_combine_body(%arg0: i32, %arg1: memref<1024x768xf32, #tpu.memory_space<vmem>>, %arg2: memref<1024x768xf32, #tpu.memory_space<vmem>>, %arg3: memref<1024x768xf32, #tpu.memory_space<vmem>>, %arg4: memref<1024x768xf32, #tpu.memory_space<vmem>>) attributes {dimension_semantics = [#tpu.dimension_semantics<arbitrary>], iteration_bounds = array<i64: 32>, scalar_prefetch = 0 : i64, scratch_operands = 0 : i64, tpu.core_type = #tpu.core_type<tc>, window_params = [{transform_indices = @transform_0, window_bounds = array<i64: 1024, 768>}, {transform_indices = @transform_1, window_bounds = array<i64: 1024, 768>}, {transform_indices = @transform_2, window_bounds = array<i64: 1024, 768>}, {transform_indices = @transform_3, window_bounds = array<i64: 1024, 768>}]} {
    %get3A = arith.constant 0 : index
    %get3A_0 = arith.constant 0 : index
    %get3A_1 = vector.load %arg1[%get3A, %get3A_0] : memref<1024x768xf32, #tpu.memory_space<vmem>>, vector<1024x768xf32>
    %get3A_2 = arith.constant 0 : index
    %get3A_3 = arith.constant 0 : index
    %get3A_4 = vector.load %arg2[%get3A_2, %get3A_3] : memref<1024x768xf32, #tpu.memory_space<vmem>>, vector<1024x768xf32>
    %add3A = arith.addf %get3A_1, %get3A_4 : vector<1024x768xf32>
    %get3A_5 = arith.constant 0 : index
    %get3A_6 = arith.constant 0 : index
    %get3A_7 = vector.load %arg3[%get3A_5, %get3A_6] : memref<1024x768xf32, #tpu.memory_space<vmem>>, vector<1024x768xf32>
    %add3A_8 = arith.addf %add3A, %get3A_7 : vector<1024x768xf32>
    %swap3A = arith.constant 0 : index
    %swap3A_9 = arith.constant 0 : index
    %swap3A_10 = vector.load %arg4[%swap3A, %swap3A_9] : memref<1024x768xf32, #tpu.memory_space<vmem>>, vector<1024x768xf32>
    tpu.vector_store %arg4[%swap3A, %swap3A_9], %add3A_8 {strides = array<i32>} : memref<1024x768xf32, #tpu.memory_space<vmem>>, vector<1024x768xf32>,
    return
  }
  func.func @transform_0(%arg0: i32) -> (i32, i32) {
    %c0_i32 = arith.constant 0 : i32
    %c0_i32_0 = arith.constant 0 : i32
    return %arg0, %c0_i32 : i32, i32
  }
  func.func @transform_1(%arg0: i32) -> (i32, i32) {
    %c0_i32 = arith.constant 0 : i32
    %c0_i32_0 = arith.constant 0 : i32
    return %arg0, %c0_i32 : i32, i32
  }
  func.func @transform_2(%arg0: i32) -> (i32, i32) {
    %c0_i32 = arith.constant 0 : i32
    %c0_i32_0 = arith.constant 0 : i32
    return %arg0, %c0_i32 : i32, i32
  }
  func.func @transform_3(%arg0: i32) -> (i32, i32) {
    %c0_i32 = arith.constant 0 : i32
    %c0_i32_0 = arith.constant 0 : i32
    return %arg0, %c0_i32 : i32, i32
  }
}

module attributes {stable_mosaic.version = 14 : i64} {
  func.func @_expert_body(%arg0: i32, %arg1: memref<128x768xf32, #tpu.memory_space<vmem>>, %arg2: memref<1x768x768xf32, #tpu.memory_space<vmem>>, %arg3: memref<1x1x128xf32, #tpu.memory_space<vmem>>, %arg4: memref<1x1x768xf32, #tpu.memory_space<vmem>>, %arg5: memref<128x768xf32, #tpu.memory_space<vmem>>) attributes {dimension_semantics = [#tpu.dimension_semantics<arbitrary>], iteration_bounds = array<i64: 65>, scalar_prefetch = 0 : i64, scratch_operands = 0 : i64, tpu.core_type = #tpu.core_type<tc>, window_params = [{transform_indices = @transform_0, window_bounds = array<i64: 128, 768>}, {transform_indices = @transform_1, window_bounds = array<i64: 1, 768, 768>}, {transform_indices = @transform_2, window_bounds = array<i64: 1, 1, 128>}, {transform_indices = @transform_3, window_bounds = array<i64: 1, 1, 768>}, {transform_indices = @transform_4, window_bounds = array<i64: 128, 768>}]} {
    %get3A = arith.constant 0 : index
    %get3A_0 = arith.constant 0 : index
    %get3A_1 = vector.load %arg1[%get3A, %get3A_0] : memref<128x768xf32, #tpu.memory_space<vmem>>, vector<128x768xf32>
    %get3A_2 = arith.constant 0 : index
    %get3A_3 = arith.constant 0 : index
    %get3A_4 = arith.constant 0 : index
    %get3A_5 = vector.load %arg2[%get3A_2, %get3A_3, %get3A_4] : memref<1x768x768xf32, #tpu.memory_space<vmem>>, vector<1x768x768xf32>
    %get3A_6 = vector.shape_cast %get3A_5 : vector<1x768x768xf32> to vector<768x768xf32>
    %dot_general3A = arith.constant dense<0.000000e+00> : vector<128x768xf32>
    %dot_general3A_7 = tpu.matmul %get3A_1, %get3A_6, %dot_general3A {dimension_numbers = #tpu.dot_dimension_numbers<[1], [0], [0], [1], [0, 0, 1, 1], [], []>, transpose_lhs_hint = false} : vector<128x768xf32>, vector<768x768xf32>, vector<128x768xf32> -> vector<128x768xf32>
    %get3A_8 = arith.constant 0 : index
    %get3A_9 = arith.constant 0 : index
    %get3A_10 = arith.constant 0 : index
    %get3A_11 = vector.load %arg4[%get3A_8, %get3A_9, %get3A_10] : memref<1x1x768xf32, #tpu.memory_space<vmem>>, vector<1x1x768xf32>
    %get3A_12 = vector.shape_cast %get3A_11 : vector<1x1x768xf32> to vector<768xf32>
    %broadcast_in_dim3A = vector.shape_cast %get3A_12 : vector<768xf32> to vector<1x768xf32>
    %add3A = vector.broadcast %broadcast_in_dim3A : vector<1x768xf32> to vector<128x768xf32>
    %add3A_13 = arith.addf %dot_general3A_7, %add3A : vector<128x768xf32>
    %sub3A = arith.subf %add3A_13, %get3A_1 : vector<128x768xf32>
    %get3A_14 = arith.constant 0 : index
    %get3A_15 = arith.constant 0 : index
    %get3A_16 = arith.constant 0 : index
    %get3A_17 = vector.load %arg3[%get3A_14, %get3A_15, %get3A_16] : memref<1x1x128xf32, #tpu.memory_space<vmem>>, vector<1x1x128xf32>
    %get3A_18 = vector.shape_cast %get3A_17 : vector<1x1x128xf32> to vector<128xf32>
    %iota3A = tpu.iota {dimensions = array<i32: 0>} : vector<128x128xi32>
    %iota3A_19 = tpu.iota {dimensions = array<i32: 1>} : vector<128x128xi32>
    %eq3A = arith.cmpi eq, %iota3A, %iota3A_19 : vector<128x128xi32>
    %broadcast_in_dim3A_20 = vector.shape_cast %get3A_18 : vector<128xf32> to vector<1x128xf32>
    %broadcast_in_dim3A_21 = vector.shape_cast %broadcast_in_dim3A_20 : vector<1x128xf32> to vector<1x128xf32>
    %broadcast_in_dim3A_22 = vector.broadcast %broadcast_in_dim3A_21 : vector<1x128xf32> to vector<128x128xf32>
    %jit3A = arith.constant 0.000000e+00 : f32
    %broadcast_in_dim3A_23 = vector.broadcast %jit3A : f32 to vector<128x128xf32>
    %select_n3A = arith.select %eq3A, %broadcast_in_dim3A_22, %broadcast_in_dim3A_23 : vector<128x128xi1>, vector<128x128xf32>
    %dot_general3A_24 = arith.constant dense<0.000000e+00> : vector<128x768xf32>
    %dot_general3A_25 = tpu.matmul %select_n3A, %sub3A, %dot_general3A_24 {dimension_numbers = #tpu.dot_dimension_numbers<[1], [0], [0], [1], [0, 0, 1, 1], [], []>, transpose_lhs_hint = false} : vector<128x128xf32>, vector<128x768xf32>, vector<128x768xf32> -> vector<128x768xf32>
    %eq3A_26 = arith.constant 64 : i32
    %eq3A_27 = arith.cmpi eq, %arg0, %eq3A_26 : i32
    %jit3A_28 = arith.constant 0.000000e+00 : f32
    %broadcast_in_dim3A_29 = vector.broadcast %jit3A_28 : f32 to vector<128x768xf32>
    %select_n3A_30 = arith.select %eq3A_27, %broadcast_in_dim3A_29, %dot_general3A_25 : vector<128x768xf32>
    %swap3A = arith.constant 0 : index
    %swap3A_31 = arith.constant 0 : index
    %swap3A_32 = vector.load %arg5[%swap3A, %swap3A_31] : memref<128x768xf32, #tpu.memory_space<vmem>>, vector<128x768xf32>
    tpu.vector_store %arg5[%swap3A, %swap3A_31], %select_n3A_30 {strides = array<i32>} : memref<128x768xf32, #tpu.memory_space<vmem>>, vector<128x768xf32>,
    return
  }
  func.func @transform_0(%arg0: i32) -> (i32, i32) {
    %min3A = arith.constant 63 : i32
    %min3A_0 = arith.minsi %arg0, %min3A : i32
    %c0_i32 = arith.constant 0 : i32
    %c0_i32_1 = arith.constant 0 : i32
    return %min3A_0, %c0_i32 : i32, i32
  }
  func.func @transform_1(%arg0: i32) -> (i32, i32, i32) {
    %min3A = arith.constant 63 : i32
    %min3A_0 = arith.minsi %arg0, %min3A : i32
    %c0_i32 = arith.constant 0 : i32
    %c0_i32_1 = arith.constant 0 : i32
    %c0_i32_2 = arith.constant 0 : i32
    return %min3A_0, %c0_i32, %c0_i32_1 : i32, i32, i32
  }
  func.func @transform_2(%arg0: i32) -> (i32, i32, i32) {
    %min3A = arith.constant 63 : i32
    %min3A_0 = arith.minsi %arg0, %min3A : i32
    %c0_i32 = arith.constant 0 : i32
    %c0_i32_1 = arith.constant 0 : i32
    %c0_i32_2 = arith.constant 0 : i32
    return %min3A_0, %c0_i32, %c0_i32_1 : i32, i32, i32
  }
  func.func @transform_3(%arg0: i32) -> (i32, i32, i32) {
    %min3A = arith.constant 63 : i32
    %min3A_0 = arith.minsi %arg0, %min3A : i32
    %c0_i32 = arith.constant 0 : i32
    %c0_i32_1 = arith.constant 0 : i32
    %c0_i32_2 = arith.constant 0 : i32
    return %min3A_0, %c0_i32, %c0_i32_1 : i32, i32, i32
  }
  func.func @transform_4(%arg0: i32) -> (i32, i32) {
    %c0_i32 = arith.constant 0 : i32
    %c0_i32_0 = arith.constant 0 : i32
    return %arg0, %c0_i32 : i32, i32
  }
}

</mosaic_0001>

<sc_bundles>
// kernel: gather_offload_async_start.1
scs
__scs_entry_jumppad:
0x0: {  	(pc) =	sbr.rel $0x88, $3  }
0x1: {  	(tag) =	ssettag $0x0;
	lr =	simm.s32 $0x1  }
0x2: {  	[smem:$0x3F9C] =	sst lr;
	_ =	strace $0xD0000000  }
0x3: {  	_ = 	snop  }
0x4: {  	_ = 	snop  }
0x5: {  	_ = 	snop  }
0x6: {  	_ = 	snop  }
0x7: {  	_ = 	snop  }
__scs_overlays_trampoline_lowered:
0x8: {  	[smem:$0x3FAB] =	sst s0  }
0x9: {  	[smem:$0x3FAC] =	sst s1  }
0xa: {  	[smem:$0x3FAD] =	sst s2  }
0xb: {  	[smem:$0x3FAE] =	sst s3  }
0xc: {  	[smem:$0x3FAF] =	sst s4  }
0xd: {  	[smem:$0x3FB0] =	sst s5  }
0xe: {  	[smem:$0x3FB1] =	sst s6  }
0xf: {  	[smem:$0x3FB2] =	sst s7  }
0x10: {  	[smem:$0x3FB3] =	sst s8  }
0x11: {  	[smem:$0x3FB4] =	sst s9;
	s0 =	simm.s32 @!p0 $0x0  }
0x12: {  	s1 =	sld [smem:$0x3F9A];
	s0 =	simm.s32 @p0 $0x1  }
0x13: {  	[smem:$0x3FB5] =	sst s0;
	s0 =	simm.s32 @!p1 $0x0  }
0x14: {  	s2 =	sld [smem:$0x3F99];
	s0 =	simm.s32 @p1 $0x1  }
0x15: {  	[smem:$0x3FB6] =	sst s0;
	s0 =	simm.s32 @!p2 $0x0  }
0x16: {  	s3 =	sld [smem:$0x3FDB];
	s0 =	simm.s32 @p2 $0x1  }
0x17: {  	s4 =	simm.s32 $0x1BF5;
	[smem:$0x3FB8] =	sst s0  }
0x18: {  	s0 =	sld [smem:$0x3F9B];
	_ =	swait.ge [sflag:s4], $0x0  }
0x19: {  	s7 =	sld [smem:$0x3F9C]  }
0x1a: {  	s8 =	sadd.s32 $0xFFFFE003, lr  }
0x1b: {  	s9 =	sadd.s32 $0xFFFFFEF7, lr;
	s5 =	simm.s32 $0xFFFFFFFF;
	p2 =	slt.u32 s8, $0xFFFFF086  }
0x1c: {  	p1 =	slt.u32 s9, $0xF7A;
	s5 =	simm.s32 @!p2 $0x0  }
0x1d: {  	s5 =	simm.s32 @p1 $0x1;
	p0 =	seq.s32 s7, s2  }
0x1e: {  	s7 =	smul.u32 @!p0 $0xF7A, s2;
	p2 =	seq.s32 @!p0 s5, $0x0  }
0x1f: {  	s9 =	smul.u32 $0xF7A, s1;
	s8 =	simm.s32 @!p0 $0x1BF5;
	p2 =	por !p2, p0  }
0x20: {  	[sflag:s8] =	ssyncset.s32 @!p0 $0xFFFFF086;
	s6 =	sadd.s32 @!p0 s3, s7;
	s7 =	simm.s32 @!p0 $0x108  }
0x21: {  	s3 =	sadd.s32 s3, s9;
	s6 =	sadd.s32 @!p0 $0x88, s6;
	s7 =	simm.s32 @p2 $0x1082  }
0x22: {  	[simem:s7], [sflag:s8] =	dma.local @!p0 [hbm:s6], $0xF7A  }
0x23: {  	s9 =	sor.u32 $0xD0000000, s2;
	s6 =	simm.s32 $0x108;
	_ =	swait.ge @!p0 [sflag:s8], $0x0  }
0x24: {  	s3 =	sadd.s32 $0x88, s3;
	s6 =	simm.s32 @!p1 $0x1082;
	[sflag:s4] =	ssyncset.s32 $0xFFFFF086  }
0x25: {  	[simem:s6], [sflag:s4] =	dma.local [hbm:s3], $0xF7A  }
0x26: {  	[smem:$0x3F9C] =	sst s1;
	(tag) =	ssettag s2;
	_ =	strace s9  }
0x27: {  	s1 =	sld [smem:$0x3FAC]  }
0x28: {  	s2 =	sld [smem:$0x3FAD]  }
0x29: {  	s4 =	sld [smem:$0x3FAF]  }
0x2a: {  	p0 =	seq.s32 s5, $0x0;
	s5 =	sld [smem:$0x3FB0]  }
0x2b: {  	s6 =	sld [smem:$0x3FB1]  }
0x2c: {  	s7 =	sld [smem:$0x3FB2]  }
0x2d: {  	s3 =	simm.s32 $0x108;
	s8 =	sld [smem:$0x3FB3]  }
0x2e: {  	s3 =	simm.s32 @!p0 $0x1082;
	s9 =	sld [smem:$0x3FB4]  }
0x2f: {  	lr =	sadd.s32 s0, s3;
	s0 =	sld [smem:$0x3FAB]  }
0x30: {  	s3 =	sld [smem:$0x3FAE]  }
0x31: {  	[smem:$0x3FB7] =	sst s10  }
0x32: {  	s10 =	sld [smem:$0x3FB5];
	_ =	sdelay $0x3  }
0x33: {  	p0 =	seq.s32 s10, $0x1;
	s10 =	sld [smem:$0x3FB7];
	_ =	sdelay $0x3  }
0x34: {  	[smem:$0x3FB7] =	sst s10  }
0x35: {  	s10 =	sld [smem:$0x3FB6];
	_ =	sdelay $0x3  }
0x36: {  	p1 =	seq.s32 s10, $0x1;
	s10 =	sld [smem:$0x3FB7];
	_ =	sdelay $0x3  }
0x37: {  	[smem:$0x3FB7] =	sst s10  }
0x38: {  	s10 =	sld [smem:$0x3FB8]  }
0x39: {  	_ = 	snop;
	(pc) =	sbr.ind lr, $3  }
0x3a: {  	_ = 	snop  }
0x3b: {  	_ = 	snop  }
0x3c: {  	p2 =	seq.s32 s10, $0x1;
	s10 =	sld [smem:$0x3FB7]  }
0x3d: {  	_ =	shalt  }
0x3e: {  	_ =	shalt  }
0x3f: {  	_ =	shalt  }
0x40: {  	_ =	shalt  }
0x41: {  	_ =	shalt  }
0x42: {  	_ =	shalt  }
0x43: {  	_ =	shalt  }
0x44: {  	_ =	shalt  }
0x45: {  	_ =	shalt  }
0x46: {  	_ =	shalt  }
0x47: {  	_ =	shalt  }
0x48: {  	_ =	shalt  }
0x49: {  	_ =	shalt  }
0x4a: {  	_ =	shalt  }
0x4b: {  	_ =	shalt  }
0x4c: {  	_ =	shalt  }
0x4d: {  	_ =	shalt  }
0x4e: {  	_ =	shalt  }
0x4f: {  	_ =	shalt  }
0x50: {  	_ =	shalt  }
0x51: {  	_ =	shalt  }
0x52: {  	_ =	shalt  }
0x53: {  	_ =	shalt  }
0x54: {  	_ =	shalt  }
0x55: {  	_ =	shalt  }
0x56: {  	_ =	shalt  }
0x57: {  	_ =	shalt  }
0x58: {  	_ =	shalt  }
0x59: {  	_ =	shalt  }
0x5a: {  	_ =	shalt  }
0x5b: {  	_ =	shalt  }
0x5c: {  	_ =	shalt  }
0x5d: {  	_ =	shalt  }
0x5e: {  	_ =	shalt  }
0x5f: {  	_ =	shalt  }
0x60: {  	_ =	shalt  }
0x61: {  	_ =	shalt  }
0x62: {  	_ =	shalt  }
0x63: {  	_ =	shalt  }
0x64: {  	_ =	shalt  }
0x65: {  	_ =	shalt  }
0x66: {  	_ =	shalt  }
0x67: {  	_ =	shalt  }
0x68: {  	_ =	shalt  }
0x69: {  	_ =	shalt  }
0x6a: {  	_ =	shalt  }
0x6b: {  	_ =	shalt  }
0x6c: {  	_ =	shalt  }
0x6d: {  	_ =	shalt  }
0x6e: {  	_ =	shalt  }
0x6f: {  	_ =	shalt  }
0x70: {  	_ =	shalt  }
0x71: {  	_ =	shalt  }
0x72: {  	_ =	shalt  }
0x73: {  	_ =	shalt  }
0x74: {  	_ =	shalt  }
0x75: {  	_ =	shalt  }
0x76: {  	_ =	shalt  }
0x77: {  	_ =	shalt  }
0x78: {  	_ =	shalt  }
0x79: {  	_ =	shalt  }
0x7a: {  	_ =	shalt  }
0x7b: {  	_ =	shalt  }
0x7c: {  	_ =	shalt  }
0x7d: {  	_ =	shalt  }
0x7e: {  	_ =	shalt  }
0x7f: {  	_ =	shalt  }
0x80: {  	_ =	shalt  }
0x81: {  	_ =	shalt  }
0x82: {  	_ =	shalt  }
0x83: {  	_ =	shalt  }
0x84: {  	_ =	shalt  }
0x85: {  	_ =	shalt  }
0x86: {  	_ =	shalt  }
0x87: {  	_ =	shalt  }
.Lfunc_end0:
.L_simem_size_0:
called_computation.1_lowered:
.L_overlay_start_0:
0x88: {  	s2 =	sld [smem:$0x3FD9]  }
0x89: {  	s3 =	sld [smem:$0x3FFE];
	_ =	sdelay $0x1  }
0x8a: {  	s1 =	srdreg.scid  }
0x8b: {  	s0 =	sand.u32 $0x1, s1  }
0x8c: {  	s17 =	sshll.u32 s0, $0xA;
	s2 =	sadd.s32 s3, s2  }
0x8d: {  	s2 =	sadd.s32 s2, s17  }
0x8e: {  	[smem:$0x3FC3] =	sst s2  }
0x8f: {  	_ = 	snop  }
0x90: {  	s2 =	sld [smem:$0x3FD0];
	(tm) =	ssettm $0x1  }
0x91: {  	s18 =	sld [smem:$0x3FFB];
	_ =	sdelay $0x3  }
0x92: {  	_ =	strace s18  }
0x93: {  	s3 =	sld [smem:$0x3FFC];
	_ =	sdelay $0x3  }
0x94: {  	_ =	strace s3  }
0x95: {  	s3 =	sld [smem:$0x3FFD];
	_ =	sdelay $0x3  }
0x96: {  	_ =	strace s3  }
0x97: {  	_ =	strace $0x8FFFFFFF  }
0x98: {  	s19 =	sld [smem:$0x3FDB];
	_ =	sdelay $0x1  }
0x99: {  	s4 =	simm.s32 $_scs_section_size  }
0x9a: {  	s5 =	simm.s32 $_size__tile_overlayer_lowered;
	s6 =	simm.s32 $_tile_overlayer_lowered  }
0x9b: {  	s22 =	simm.s32 $0x1BFF;
	s21 =	sshll.u32 s6, $0x1;
	s3 =	sadd.s32 s4, s19  }
0x9c: {  	s7 =	simm.s32 $0x0;
	s20 =	sshll.u32 s5, $0x1;
	s5 =	sadd.s32 s21, s3  }
0x9d: {  	[timem:s7], [sflag:s22] =	dma.local [hbm:s5], s20  }
0x9e: {  	_ =	swait.ge [sflag:s22], s20  }
0x9f: {  	s4 =	ssub.s32 $0x0, s20;
	[sflag:s22] =	ssyncset.done $0x0  }
0xa0: {  	[sflag:s22] =	ssyncadd.s32 s4;
	_ =	sdelay $0x1  }
0xa1: {  	s23 =	simm.s32 $0x1B8B  }
0xa2: {  	_ =	swait.ge [sflag:s23], $0x1  }
0xa3: {  	[sflag:s23] =	ssyncset.done $0x0  }
0xa4: {  	s25 =	simm.s32 $0x1B8E;
	s24 =	sld [smem:$0x3FFE];
	[sflag:s23] =	ssyncadd.s32 $0xFFFFFFFF  }
0xa5: {  	s26 =	simm.s32 $execute0_lowered;
	[smem:$0x3FD2] =	sst s25  }
0xa6: {  	s5 =	sshll.u32 s26, $0x1;
	_ =	strace $0x80000046;
	[dreg:$0x1] =	wrdreg $0xFFFFFFFF  }
0xa7: {  	s28 =	simm.s32 $_size_execute0_lowered;
	s3 =	sadd.s32 s3, s5;
	[dreg:$0x0] =	wrdreg $0x0  }
0xa8: {  	s5 =	sshll.u32 s28, $0x1;
	[dreg:$0x2] =	wrdreg s3  }
0xa9: {  	[dreg:$0x3] =	wrdreg s5  }
0xaa: {  	[dreg:$0x4] =	wrdreg $0xC0  }
0xab: {  	_ =	task [dreg:s7], $0x5FFFF  }
0xac: {  	[dreg:$0x1] =	wrdreg $0xFFFFFFFF  }
0xad: {  	[dreg:$0x0] =	wrdreg $0x60  }
0xae: {  	[dreg:$0x2] =	wrdreg s2  }
0xaf: {  	[dreg:$0x3] =	wrdreg s24  }
0xb0: {  	[dreg:$0x4] =	wrdreg $0x9  }
0xb1: {  	_ =	task.clear_ibuf [dreg:s7], $0x5FFFF;
	_ =	strace $0x90000046  }
0xb2: {  	s29 =	simm.s32 $0x9;
	_ =	strace $0x80000048  }
0xb3: {  	_ =	swait.ge [sflag:s29], $0x1  }
0xb4: {  	[sflag:s29] =	ssyncadd.s32 $0xFFFFFFFF  }
0xb5: {  	_ =	strace $0x90000048  }
0xb6: {  	_ =	sfence  }
0xb7: {  	s30 =	sld [smem:$0x0];
	_ =	sdelay $0x2  }
0xb8: {  	s31 =	sshll.u32 s1, $0xD;
	s1 =	sshrl.u32 s1, $0x2  }
0xb9: {  	s3 =	sand.u32 $0x4000, s31;
	s1 =	sadd.s32 s1, s30  }
0xba: {  	s0 =	sor.u32 s3, s0;
	s1 =	sshll.u32 s1, $0x11  }
0xbb: {  	s0 =	sor.u32 s1, s0  }
0xbc: {  	s0 =	sadd.s32 $0x8F2B, s0  }
0xbd: {  	[sflag:s0] =	ssyncadd.remote.s32 $0x1  }
0xbe: {  	_ =	sfence.sel $0xFFFF  }
0xbf: {  	[dreg:$0x0] =	wrdreg $0xFFFFFFFF;
	(pc) =	sbr.abs _section_cstart, $3  }
0xc0: {  	[dreg:$0x1] =	wrdreg $0xFFFFFFFF  }
0xc1: {  	_ =	task.clear_ibuf [dreg:s7], $0x2FFFF;
	_ =	strace $0x9FFFFFFF  }
0xc2: {  	(tm) =	ssettm $0x7FFFFFFF  }
0xc3: {  	_ =	shalt  }
tec
execute0_lowered:
.L_overlay_start_1:
0x0: {  	(tag) =	ssettag $0x1  }
0x1: {  	s1 =	srdreg.scid;
	s2 =	rddreg [dreg:$0x0]  }
0x2: {  	s0 =	stileid.u32;
	s5 =	rddreg [dreg:$0x1];
	s6 =	simm.s32 $0x1  }
0x3: {  	s9 =	simm.s32 $0x1;
	s10 =	simm.s32 $0x3;
	s1 =	sshll.u32 s1, $0x7  }
0x4: {  	s13 =	simm.s32 $0x0;
	s3 =	sshll.u32 s0, $0x8;
	s4 =	sand.u32 $0x80, s1  }
0x5: {  	s12 =	simm.s32 $0x0;
	s1 =	rddreg [dreg:$0x2];
	s3 =	sor.u32 s3, s4  }
0x6: {  	_ =	strace $0x80000047;
	s4 =	sadd.s32 $0x2200, s5;
	s8 =	ssub.s32 $0x2000, s3  }
.Ltmp0:
0x7: {  	s5 =	sadd.s32 $0x2600, s5;
	s7 =	sand.u32 $0xF80, s8;
	(pc) =	sbr.rel .LBB2_1-.Ltmp0, $4  }
0x8: {  	[sflag:s6] =	ssyncpa.u1 $0x0;
	s11 =	smov.u32 s3;
	p0 =	sne.s32 s7, $0x0  }
0x9: {  	s8 =	sshrl.u32 s8, $0xC;
	s7 =	simm.s32 $0x2;
	s9 =	simm.s32 @!p0 $0x0  }
0xa: {  	[sflag:s7] =	ssyncpa.u1 $0x0;
	p0 =	por $0x0, $0x0;
	s8 =	sadd.s32 s9, s8  }
0xb: {  	vm0 =	vmmov $0xffff;
	[sflag:s10] =	ssyncpa.u1 $0x0;
	s10 =	simm.s32 $0x0;
	s9 =	sadd.s32 $0x1, s8  }
.LBB2_4:
0xc: {  	v2 =	vnsel vm1, $0x0, v2  }
0xd: {  	vm1 =	vgt.s32 v0, $0x0;
	v2 =	vmin.u32 v2, $0xFFFF  }
0xe: {  	v0 =	vnsel vm1, $0x0, v0  }
0xf: {  	v0 =	vmin.u32 v0, $0xFFFF  }
0x10: {  	[tilespmem:s15], [sflag:$0x1] =	stream.indirect_vreg.gather [hbm4b:s2+s10], $0x1, v1, vm0, $0x4038;
	[tilespmem:$0x200] =	vst v63  }
0x11: {  	(ifvalue) =	ssetifvalue $0x7FFFFFFF  }
0x12: {  	[tilespmem:s16], [sflag:$0x1] =	stream.indirect_vreg.gather [hbm4b:s2+s10], $0x1, v2, vm0, $0x4038;
	[tilespmem:$0x200] =	vst v63  }
0x13: {  	s29 =	sadd.s32 $0x10, s16;
	(ifvalue) =	ssetifvalue $0x7FFFFFFF  }
0x14: {  	[tilespmem:s29], [sflag:$0x1] =	stream.indirect_vreg.gather [hbm4b:s2+s10], $0x1, v0, vm0, $0x4038;
	[tilespmem:$0x200] =	vst v63  }
0x15: {  	_ =	swait.ge [sflag:s6], $0x80  }
0x16: {  	s30 =	sshrl.u32 s13, $0x3;
	[sflag:s6] =	ssyncset.done $0x0  }
0x17: {  	s31 =	sand.u32 $0x7, s13;
	s15 =	sadd.s32 s5, s30;
	[sflag:s6] =	ssyncadd.s32 $0xFFFFFF80  }
0x18: {  	[hbm4b:s15+s31] =	stream.linear.scatter [tilespmem:s14], [sflag:$0x3], $0x80, $0x38;
	[tilespmem:$0x200] =	vst v63  }
.LBB2_5:
0x19: {  	s15 =	sadd.s32 $0x1000, s11  }
0x1a: {  	p2 =	sgt.s32 s15, $0x1FFF  }
0x1b: {  	s15 =	smov.u32 @p2 s3;
	p2 =	sne.s32 s12, s9  }
.Ltmp1:
0x1c: {  	p1 =	slt.u32 s12, $0x2;
	(pc) =	sbr.rel @!p2 .LBB2_6-.Ltmp1, $4  }
0x1d: {  	s14 =	simm.s32 @!p1 $0x3  }
0x1e: {  	s16 =	sadd.s32 $0x1, s12;
	_ =	swait.ge @!p1 [sflag:s14], $0x80  }
0x1f: {  	s13 =	smov.u32 s11;
	p0 =	por !p0, !p0;
	[sflag:s14] =	ssyncset.done @!p1 $0x0  }
0x20: {  	s12 =	smov.u32 s16;
	s11 =	smov.u32 s15;
	[sflag:s14] =	ssyncadd.s32 @!p1 $0xFFFFFF80  }
.LBB2_1:
0x21: {  	p1 =	sge.u32 s12, s8  }
0x22: {  	s14 =	sxor.u32 @!p1 $0xFFFFFFFF, s12  }
0x23: {  	s31 =	sadd.s32 $0xFFFFFFFF, s12;
	s15 =	sshrl.u32 @!p1 s11, $0x3;
	s14 =	sshll.u32 @!p1 s14, $0x7  }
0x24: {  	s16 =	sand.u32 @!p1 $0x7, s11;
	s15 =	sadd.s32 @!p1 s4, s15;
	s14 =	sand.u32 @!p1 $0x80, s14  }
0x25: {  	[tilespmem:s14], [sflag:$0x2] =	stream.linear.gather @!p1 [hbm4b:s15+s16], $0x80, $0x38;
	[tilespmem:$0x200] =	vst v63  }
0x26: {  	p1 =	sge.u32 s31, s8  }
.Ltmp2:
0x27: {  	_ = 	snop;
	(pc) =	sbr.rel @p1 .LBB2_5-.Ltmp2, $1  }
0x28: {  	_ =	sdelay $0x3  }
0x29: {  	s14 =	simm.s32 $0x1  }
0x2a: {  	_ =	swait.ge [sflag:s7], $0x80;
	s14 =	simm.s32 @!p0 $0x0  }
0x2b: {  	[sflag:s7] =	ssyncset.done $0x0;
	s14 =	sshll.u32 s14, $0x7  }
0x2c: {  	[sflag:s7] =	ssyncadd.s32 $0xFFFFFF80;
	(ifvalue) =	ssetifvalue $0x7FFFFFFF;
	v0 =	vld.msk [tilespmem:s14+$0x0 ss:$0x1], $0xffff;
	_ =	sdelay $0x4  }
0x2d: {  	s15 =	sadd.s32 $0x10, s14;
	vm1 =	vgt.s32 v0, $0x0  }
0x2e: {  	v2 =	vld.msk [tilespmem:s15+$0x0 ss:$0x1], $0xffff;
	v1 =	vnsel vm1, $0x0, v0  }
0x2f: {  	v1 =	vmin.u32 v1, $0xFFFF;
	_ =	sdelay $0x1  }
0x30: {  	s16 =	sshll.u32 s12, $0x7;
	s18 =	simm.s32 $0x20  }
0x31: {  	s16 =	sand.u32 $0x80, s16;
	s17 =	sadd.s32 $0x10, s15;
	s15 =	sor.u32 $0x100, s14  }
0x32: {  	s14 =	sor.u32 $0x100, s16;
	s16 =	sadd.s32 $0x10, s15;
	v0 =	vld.msk [tilespmem:s17+$0x0 ss:$0x1], $0xffff;
	vm1 =	vgt.s32 v2, $0x0;
	(ifvalue) =	ssetifvalue $0x7FFFFFFF  }
.LBB2_3:
0x33: {  	[tilespmem:s15], [sflag:$0x1] =	stream.indirect_vreg.gather [hbm4b:s2+s10], $0x1, v1, vm0, $0x4038;
	[tilespmem:$0x200] =	vst v63  }
0x34: {  	s18 =	sadd.s32 $0x10, s18  }
0x35: {  	v2 =	vnsel vm1, $0x0, v2;
	p1 =	slt.u32 s18, $0x70  }
.Ltmp3:
0x36: {  	s15 =	smov.u32 s16;
	v1 =	vmin.u32 v2, $0xFFFF;
	(pc) =	sbr.rel @p1 .LBB2_3-.Ltmp3, $3  }
0x37: {  	_ =	sdelay $0x1  }
0x38: {  	s17 =	sadd.s32 $0x10, s17  }
0x39: {  	vm1 =	vgt.s32 v0, $0x0;
	s16 =	sadd.s32 $0x10, s16;
	v2 =	vmov v0;
	(ifvalue) =	ssetifvalue $0x7FFFFFFF;
	v0 =	vld.msk [tilespmem:s17+$0x0 ss:$0x1], $0xffff  }
.Ltmp4:
0x3a: {  	_ = 	snop;
	(pc) =	sbr.rel .LBB2_4-.Ltmp4, $1  }
0x3b: {  	_ =	sdelay $0x3  }
.LBB2_6:
0x3c: {  	_ =	sfence.sel $0x180000  }
0x3d: {  	s2 =	simm.s32 $0x2;
	[bflag:$0x0] =	sbarrier.arrive $0xFFFF  }
0x3e: {  	s30 =	simm.s32 $0x3;
	[sflag:s2] =	ssyncpa.u1 $0x1  }
0x3f: {  	s31 =	simm.s32 $0x1;
	[sflag:s30] =	ssyncpa.u1 $0x1  }
0x40: {  	[sflag:s31] =	ssyncpa.u1 $0x1  }
0x41: {  	p0 =	sne.s32 s0, $0x0;
	_ =	strace $0x90000047  }
0x42: {  	s0 =	sadd.s32 @!p0 $0x100000, s1;
	[bflag:$0x2] =	sbarrier.arrive $0xFFFF  }
0x43: {  	[sflag:s0] =	ssyncadd.tile.s32 @!p0 $0x1;
	_ =	shalt  }
.Lfunc_end2:
_tile_overlayer_lowered:
.L_overlay_start_2:
0x44: {  	(tag) =	ssettag $0x2  }
0x45: {  	s0 =	rddreg [dreg:$0x0];
	s2 =	stileid.u32  }
0x46: {  	s1 =	rddreg [dreg:$0x1];
	p0 =	sne.s32 s2, $0x0  }
0x47: {  	s3 =	rddreg [dreg:$0x2];
	[bflag:$0x3] =	sbarrier.arrive $0xFFFF;
	s2 =	simm.s32 @!p0 $0x1C01  }
0x48: {  	[timem:s3], [sflag:s2] =	dma.local @!p0 [hbm:s0], s1  }
0x49: {  	s0 =	simm.s32 @!p0 $0x1  }
0x4a: {  	_ =	swait.ge @!p0 [sflag:s0], s1  }
0x4b: {  	s1 =	ssub.s32 @!p0 $0x0, s1;
	[sflag:s0] =	ssyncset.done @!p0 $0x0  }
0x4c: {  	[sflag:s0] =	ssyncadd.s32 @!p0 s1  }
0x4d: {  	[bflag:$0x3] =	sbarrier.arrive $0xFFFF  }
0x4e: {  	_ =	shalt  }

// kernel: gather_offload_async_start.2
scs
__scs_entry_jumppad:
0x0: {  	(pc) =	sbr.rel $0x88, $3  }
0x1: {  	(tag) =	ssettag $0x0;
	lr =	simm.s32 $0x1  }
0x2: {  	[smem:$0x3F9C] =	sst lr;
	_ =	strace $0xD0000000  }
0x3: {  	_ = 	snop  }
0x4: {  	_ = 	snop  }
0x5: {  	_ = 	snop  }
0x6: {  	_ = 	snop  }
0x7: {  	_ = 	snop  }
__scs_overlays_trampoline_lowered:
0x8: {  	[smem:$0x3FAB] =	sst s0  }
0x9: {  	[smem:$0x3FAC] =	sst s1  }
0xa: {  	[smem:$0x3FAD] =	sst s2  }
0xb: {  	[smem:$0x3FAE] =	sst s3  }
0xc: {  	[smem:$0x3FAF] =	sst s4  }
0xd: {  	[smem:$0x3FB0] =	sst s5  }
0xe: {  	[smem:$0x3FB1] =	sst s6  }
0xf: {  	[smem:$0x3FB2] =	sst s7  }
0x10: {  	[smem:$0x3FB3] =	sst s8  }
0x11: {  	[smem:$0x3FB4] =	sst s9;
	s0 =	simm.s32 @!p0 $0x0  }
0x12: {  	s1 =	sld [smem:$0x3F9A];
	s0 =	simm.s32 @p0 $0x1  }
0x13: {  	[smem:$0x3FB5] =	sst s0;
	s0 =	simm.s32 @!p1 $0x0  }
0x14: {  	s2 =	sld [smem:$0x3F99];
	s0 =	simm.s32 @p1 $0x1  }
0x15: {  	[smem:$0x3FB6] =	sst s0;
	s0 =	simm.s32 @!p2 $0x0  }
0x16: {  	s3 =	sld [smem:$0x3FDB];
	s0 =	simm.s32 @p2 $0x1  }
0x17: {  	s4 =	simm.s32 $0x1BF5;
	[smem:$0x3FB8] =	sst s0  }
0x18: {  	s0 =	sld [smem:$0x3F9B];
	_ =	swait.ge [sflag:s4], $0x0  }
0x19: {  	s7 =	sld [smem:$0x3F9C]  }
0x1a: {  	s8 =	sadd.s32 $0xFFFFE003, lr  }
0x1b: {  	s9 =	sadd.s32 $0xFFFFFEF7, lr;
	s5 =	simm.s32 $0xFFFFFFFF;
	p2 =	slt.u32 s8, $0xFFFFF086  }
0x1c: {  	p1 =	slt.u32 s9, $0xF7A;
	s5 =	simm.s32 @!p2 $0x0  }
0x1d: {  	s5 =	simm.s32 @p1 $0x1;
	p0 =	seq.s32 s7, s2  }
0x1e: {  	s7 =	smul.u32 @!p0 $0xF7A, s2;
	p2 =	seq.s32 @!p0 s5, $0x0  }
0x1f: {  	s9 =	smul.u32 $0xF7A, s1;
	s8 =	simm.s32 @!p0 $0x1BF5;
	p2 =	por !p2, p0  }
0x20: {  	[sflag:s8] =	ssyncset.s32 @!p0 $0xFFFFF086;
	s6 =	sadd.s32 @!p0 s3, s7;
	s7 =	simm.s32 @!p0 $0x108  }
0x21: {  	s3 =	sadd.s32 s3, s9;
	s6 =	sadd.s32 @!p0 $0x88, s6;
	s7 =	simm.s32 @p2 $0x1082  }
0x22: {  	[simem:s7], [sflag:s8] =	dma.local @!p0 [hbm:s6], $0xF7A  }
0x23: {  	s9 =	sor.u32 $0xD0000000, s2;
	s6 =	simm.s32 $0x108;
	_ =	swait.ge @!p0 [sflag:s8], $0x0  }
0x24: {  	s3 =	sadd.s32 $0x88, s3;
	s6 =	simm.s32 @!p1 $0x1082;
	[sflag:s4] =	ssyncset.s32 $0xFFFFF086  }
0x25: {  	[simem:s6], [sflag:s4] =	dma.local [hbm:s3], $0xF7A  }
0x26: {  	[smem:$0x3F9C] =	sst s1;
	(tag) =	ssettag s2;
	_ =	strace s9  }
0x27: {  	s1 =	sld [smem:$0x3FAC]  }
0x28: {  	s2 =	sld [smem:$0x3FAD]  }
0x29: {  	s4 =	sld [smem:$0x3FAF]  }
0x2a: {  	p0 =	seq.s32 s5, $0x0;
	s5 =	sld [smem:$0x3FB0]  }
0x2b: {  	s6 =	sld [smem:$0x3FB1]  }
0x2c: {  	s7 =	sld [smem:$0x3FB2]  }
0x2d: {  	s3 =	simm.s32 $0x108;
	s8 =	sld [smem:$0x3FB3]  }
0x2e: {  	s3 =	simm.s32 @!p0 $0x1082;
	s9 =	sld [smem:$0x3FB4]  }
0x2f: {  	lr =	sadd.s32 s0, s3;
	s0 =	sld [smem:$0x3FAB]  }
0x30: {  	s3 =	sld [smem:$0x3FAE]  }
0x31: {  	[smem:$0x3FB7] =	sst s10  }
0x32: {  	s10 =	sld [smem:$0x3FB5];
	_ =	sdelay $0x3  }
0x33: {  	p0 =	seq.s32 s10, $0x1;
	s10 =	sld [smem:$0x3FB7];
	_ =	sdelay $0x3  }
0x34: {  	[smem:$0x3FB7] =	sst s10  }
0x35: {  	s10 =	sld [smem:$0x3FB6];
	_ =	sdelay $0x3  }
0x36: {  	p1 =	seq.s32 s10, $0x1;
	s10 =	sld [smem:$0x3FB7];
	_ =	sdelay $0x3  }
0x37: {  	[smem:$0x3FB7] =	sst s10  }
0x38: {  	s10 =	sld [smem:$0x3FB8]  }
0x39: {  	_ = 	snop;
	(pc) =	sbr.ind lr, $3  }
0x3a: {  	_ = 	snop  }
0x3b: {  	_ = 	snop  }
0x3c: {  	p2 =	seq.s32 s10, $0x1;
	s10 =	sld [smem:$0x3FB7]  }
0x3d: {  	_ =	shalt  }
0x3e: {  	_ =	shalt  }
0x3f: {  	_ =	shalt  }
0x40: {  	_ =	shalt  }
0x41: {  	_ =	shalt  }
0x42: {  	_ =	shalt  }
0x43: {  	_ =	shalt  }
0x44: {  	_ =	shalt  }
0x45: {  	_ =	shalt  }
0x46: {  	_ =	shalt  }
0x47: {  	_ =	shalt  }
0x48: {  	_ =	shalt  }
0x49: {  	_ =	shalt  }
0x4a: {  	_ =	shalt  }
0x4b: {  	_ =	shalt  }
0x4c: {  	_ =	shalt  }
0x4d: {  	_ =	shalt  }
0x4e: {  	_ =	shalt  }
0x4f: {  	_ =	shalt  }
0x50: {  	_ =	shalt  }
0x51: {  	_ =	shalt  }
0x52: {  	_ =	shalt  }
0x53: {  	_ =	shalt  }
0x54: {  	_ =	shalt  }
0x55: {  	_ =	shalt  }
0x56: {  	_ =	shalt  }
0x57: {  	_ =	shalt  }
0x58: {  	_ =	shalt  }
0x59: {  	_ =	shalt  }
0x5a: {  	_ =	shalt  }
0x5b: {  	_ =	shalt  }
0x5c: {  	_ =	shalt  }
0x5d: {  	_ =	shalt  }
0x5e: {  	_ =	shalt  }
0x5f: {  	_ =	shalt  }
0x60: {  	_ =	shalt  }
0x61: {  	_ =	shalt  }
0x62: {  	_ =	shalt  }
0x63: {  	_ =	shalt  }
0x64: {  	_ =	shalt  }
0x65: {  	_ =	shalt  }
0x66: {  	_ =	shalt  }
0x67: {  	_ =	shalt  }
0x68: {  	_ =	shalt  }
0x69: {  	_ =	shalt  }
0x6a: {  	_ =	shalt  }
0x6b: {  	_ =	shalt  }
0x6c: {  	_ =	shalt  }
0x6d: {  	_ =	shalt  }
0x6e: {  	_ =	shalt  }
0x6f: {  	_ =	shalt  }
0x70: {  	_ =	shalt  }
0x71: {  	_ =	shalt  }
0x72: {  	_ =	shalt  }
0x73: {  	_ =	shalt  }
0x74: {  	_ =	shalt  }
0x75: {  	_ =	shalt  }
0x76: {  	_ =	shalt  }
0x77: {  	_ =	shalt  }
0x78: {  	_ =	shalt  }
0x79: {  	_ =	shalt  }
0x7a: {  	_ =	shalt  }
0x7b: {  	_ =	shalt  }
0x7c: {  	_ =	shalt  }
0x7d: {  	_ =	shalt  }
0x7e: {  	_ =	shalt  }
0x7f: {  	_ =	shalt  }
0x80: {  	_ =	shalt  }
0x81: {  	_ =	shalt  }
0x82: {  	_ =	shalt  }
0x83: {  	_ =	shalt  }
0x84: {  	_ =	shalt  }
0x85: {  	_ =	shalt  }
0x86: {  	_ =	shalt  }
0x87: {  	_ =	shalt  }
.Lfunc_end0:
.L_simem_size_0:
called_computation.2_lowered:
.L_overlay_start_0:
0x88: {  	s2 =	sld [smem:$0x3FD9]  }
0x89: {  	s3 =	sld [smem:$0x3FFE];
	_ =	sdelay $0x1  }
0x8a: {  	s1 =	srdreg.scid  }
0x8b: {  	s0 =	sand.u32 $0x1, s1  }
0x8c: {  	s17 =	sshll.u32 s0, $0xA;
	s2 =	sadd.s32 s3, s2  }
0x8d: {  	s2 =	sadd.s32 s2, s17  }
0x8e: {  	[smem:$0x3FC3] =	sst s2  }
0x8f: {  	_ = 	snop  }
0x90: {  	(tm) =	ssettm $0x1  }
0x91: {  	s18 =	sld [smem:$0x3FFB];
	_ =	sdelay $0x3  }
0x92: {  	_ =	strace s18  }
0x93: {  	s2 =	sld [smem:$0x3FFC];
	_ =	sdelay $0x3  }
0x94: {  	_ =	strace s2  }
0x95: {  	s2 =	sld [smem:$0x3FFD];
	_ =	sdelay $0x3  }
0x96: {  	_ =	strace s2  }
0x97: {  	_ =	strace $0x8FFFFFFF  }
0x98: {  	s19 =	sld [smem:$0x3FDB];
	_ =	sdelay $0x1  }
0x99: {  	s20 =	simm.s32 $_scs_section_size  }
0x9a: {  	s4 =	simm.s32 $_size__tile_overlayer_lowered;
	s5 =	simm.s32 $_tile_overlayer_lowered  }
0x9b: {  	s6 =	simm.s32 $0x1BFF;
	s21 =	sshll.u32 s5, $0x1;
	s3 =	sadd.s32 s20, s19  }
0x9c: {  	s22 =	simm.s32 $0x0;
	s4 =	sshll.u32 s4, $0x1;
	s5 =	sadd.s32 s21, s3  }
0x9d: {  	[timem:s22], [sflag:s6] =	dma.local [hbm:s5], s4  }
0x9e: {  	_ =	swait.ge [sflag:s6], s4  }
0x9f: {  	s4 =	ssub.s32 $0x0, s4;
	[sflag:s6] =	ssyncset.done $0x0  }
0xa0: {  	[sflag:s6] =	ssyncadd.s32 s4;
	_ =	sdelay $0x1  }
0xa1: {  	s23 =	simm.s32 $0x1B8B  }
0xa2: {  	_ =	swait.ge [sflag:s23], $0x1  }
0xa3: {  	[sflag:s23] =	ssyncset.done $0x0  }
0xa4: {  	[sflag:s23] =	ssyncadd.s32 $0xFFFFFFFF  }
0xa5: {  	s4 =	sld [smem:$0x0]  }
0xa6: {  	s5 =	sand.u32 $0xFFFFFFFE, s1  }
0xa7: {  	p0 =	sne.s32 s1, s5  }
0xa8: {  	s5 =	sshll.u32 @p0 s5, $0xE  }
0xa9: {  	s5 =	sadd.s32 @p0 $0x11B8D, s5;
	s6 =	sshll.u32 @p0 s4, $0x11  }
0xaa: {  	s5 =	sor.u32 @p0 s6, s5  }
0xab: {  	[sflag:s5] =	ssyncadd.remote.s32 @p0 $0x1;
	_ =	sdelay $0x1  }
0xac: {  	s5 =	simm.s32 @p0 $0x1B8D  }
0xad: {  	_ =	swait.eq @p0 [sflag:s5], $0x1  }
0xae: {  	[sflag:s5] =	ssyncadd.s32 @p0 $0xFFFFFFFF  }
0xaf: {  	s6 =	sshll.u32 @!p0 s1, $0xE  }
0xb0: {  	s6 =	sor.u32 @!p0 $0x4000, s6;
	s5 =	simm.s32 @!p0 $0x1B8D  }
0xb1: {  	s4 =	sshll.u32 @!p0 s4, $0x11;
	s6 =	sadd.s32 @!p0 $0x11B8D, s6;
	_ =	swait.eq @!p0 [sflag:s5], $0x1  }
0xb2: {  	s4 =	sor.u32 @!p0 s4, s6;
	[sflag:s5] =	ssyncadd.s32 @!p0 $0xFFFFFFFF  }
0xb3: {  	s25 =	simm.s32 $0x1B8E;
	s24 =	sld [smem:$0x3FFE];
	[sflag:s4] =	ssyncadd.remote.s32 @!p0 $0x1  }
0xb4: {  	s26 =	simm.s32 $execute0_lowered;
	[smem:$0x3FD2] =	sst s25  }
0xb5: {  	s5 =	sshll.u32 s26, $0x1;
	_ =	strace $0x8000004C;
	[dreg:$0x1] =	wrdreg $0xFFFFFFFF  }
0xb6: {  	s28 =	simm.s32 $_size_execute0_lowered;
	s3 =	sadd.s32 s3, s5;
	[dreg:$0x0] =	wrdreg $0x0  }
0xb7: {  	s5 =	sshll.u32 s28, $0x1;
	[dreg:$0x2] =	wrdreg s3  }
0xb8: {  	[dreg:$0x3] =	wrdreg s5  }
0xb9: {  	[dreg:$0x4] =	wrdreg $0xC0  }
0xba: {  	_ =	task [dreg:s22], $0x5FFFF  }
0xbb: {  	[dreg:$0x1] =	wrdreg $0xFFFFFFFF  }
0xbc: {  	[dreg:$0x0] =	wrdreg $0x60  }
0xbd: {  	[dreg:$0x2] =	wrdreg s24  }
0xbe: {  	[dreg:$0x3] =	wrdreg $0xA  }
0xbf: {  	_ =	task.clear_ibuf [dreg:s22], $0x4FFFF;
	_ =	strace $0x9000004C  }
0xc0: {  	s29 =	simm.s32 $0xA;
	_ =	strace $0x8000004E  }
0xc1: {  	_ =	swait.ge [sflag:s29], $0x1  }
0xc2: {  	[sflag:s29] =	ssyncadd.s32 $0xFFFFFFFF  }
0xc3: {  	_ =	strace $0x9000004E  }
0xc4: {  	_ =	sfence  }
0xc5: {  	s30 =	sld [smem:$0x0];
	_ =	sdelay $0x2  }
0xc6: {  	s31 =	sshll.u32 s1, $0xD;
	s1 =	sshrl.u32 s1, $0x2  }
0xc7: {  	s4 =	sand.u32 $0x4000, s31;
	s1 =	sadd.s32 s1, s30  }
0xc8: {  	s0 =	sor.u32 s4, s0;
	s1 =	sshll.u32 s1, $0x11  }
0xc9: {  	s0 =	sor.u32 s1, s0  }
0xca: {  	s0 =	sadd.s32 $0x8F2B, s0  }
0xcb: {  	[sflag:s0] =	ssyncadd.remote.s32 $0x1  }
0xcc: {  	_ =	sfence.sel $0xFFFF  }
0xcd: {  	[dreg:$0x0] =	wrdreg $0xFFFFFFFF;
	(pc) =	sbr.abs _section_cstart, $3  }
0xce: {  	[dreg:$0x1] =	wrdreg $0xFFFFFFFF  }
0xcf: {  	_ =	task.clear_ibuf [dreg:s22], $0x2FFFF;
	_ =	strace $0x9FFFFFFF  }
0xd0: {  	(tm) =	ssettm $0x7FFFFFFF  }
0xd1: {  	_ =	shalt  }
tec
execute0_lowered:
.L_overlay_start_1:
0x0: {  	(tag) =	ssettag $0x1  }
0x1: {  	s1 =	srdreg.scid  }
0x2: {  	s0 =	stileid.u32;
	s2 =	rddreg [dreg:$0x0];
	s6 =	simm.s32 $0x1  }
0x3: {  	s9 =	simm.s32 $0x1;
	s10 =	simm.s32 $0x3;
	s1 =	sshll.u32 s1, $0x7  }
0x4: {  	s13 =	simm.s32 $0x0;
	s3 =	sshll.u32 s0, $0x8;
	s4 =	sand.u32 $0x80, s1  }
0x5: {  	s12 =	simm.s32 $0x0;
	s5 =	sadd.s32 $0x6A00, s2;
	s3 =	sor.u32 s3, s4  }
0x6: {  	s1 =	rddreg [dreg:$0x1];
	_ =	strace $0x8000004D;
	s8 =	ssub.s32 $0x2000, s3  }
.Ltmp0:
0x7: {  	s4 =	sadd.s32 $0x2200, s2;
	s7 =	sand.u32 $0xF80, s8;
	(pc) =	sbr.rel .LBB2_1-.Ltmp0, $4  }
0x8: {  	[sflag:s6] =	ssyncpa.u1 $0x0;
	s11 =	smov.u32 s3;
	p0 =	sne.s32 s7, $0x0  }
0x9: {  	s8 =	sshrl.u32 s8, $0xC;
	s7 =	simm.s32 $0x2;
	s9 =	simm.s32 @!p0 $0x0  }
0xa: {  	[sflag:s7] =	ssyncpa.u1 $0x0;
	p0 =	por $0x0, $0x0;
	s8 =	sadd.s32 s9, s8  }
0xb: {  	vm0 =	vmmov $0xffff;
	[sflag:s10] =	ssyncpa.u1 $0x0;
	s10 =	simm.s32 $0x0;
	s9 =	sadd.s32 $0x1, s8  }
.LBB2_4:
0xc: {  	v2 =	vnsel vm1, $0x0, v2  }
0xd: {  	vm1 =	vgt.s32 v0, $0x0;
	v2 =	vmin.u32 v2, $0xFFFF  }
0xe: {  	v0 =	vnsel vm1, $0x0, v0  }
0xf: {  	v0 =	vmin.u32 v0, $0xFFFF  }
0x10: {  	[tilespmem:s15], [sflag:$0x1] =	stream.indirect_vreg.gather [hbm4b:s2+s10], $0x1, v1, vm0, $0x4038;
	[tilespmem:$0x200] =	vst v63  }
0x11: {  	(ifvalue) =	ssetifvalue $0x7FFFFFFF  }
0x12: {  	[tilespmem:s16], [sflag:$0x1] =	stream.indirect_vreg.gather [hbm4b:s2+s10], $0x1, v2, vm0, $0x4038;
	[tilespmem:$0x200] =	vst v63  }
0x13: {  	s29 =	sadd.s32 $0x10, s16;
	(ifvalue) =	ssetifvalue $0x7FFFFFFF  }
0x14: {  	[tilespmem:s29], [sflag:$0x1] =	stream.indirect_vreg.gather [hbm4b:s2+s10], $0x1, v0, vm0, $0x4038;
	[tilespmem:$0x200] =	vst v63  }
0x15: {  	_ =	swait.ge [sflag:s6], $0x80  }
0x16: {  	s30 =	sshrl.u32 s13, $0x3;
	[sflag:s6] =	ssyncset.done $0x0  }
0x17: {  	s31 =	sand.u32 $0x7, s13;
	s15 =	sadd.s32 s5, s30;
	[sflag:s6] =	ssyncadd.s32 $0xFFFFFF80  }
0x18: {  	[hbm4b:s15+s31] =	stream.linear.scatter [tilespmem:s14], [sflag:$0x3], $0x80, $0x38;
	[tilespmem:$0x200] =	vst v63  }
.LBB2_5:
0x19: {  	s15 =	sadd.s32 $0x1000, s11  }
0x1a: {  	p2 =	sgt.s32 s15, $0x1FFF  }
0x1b: {  	s15 =	smov.u32 @p2 s3;
	p2 =	sne.s32 s12, s9  }
.Ltmp1:
0x1c: {  	p1 =	slt.u32 s12, $0x2;
	(pc) =	sbr.rel @!p2 .LBB2_6-.Ltmp1, $4  }
0x1d: {  	s14 =	simm.s32 @!p1 $0x3  }
0x1e: {  	s16 =	sadd.s32 $0x1, s12;
	_ =	swait.ge @!p1 [sflag:s14], $0x80  }
0x1f: {  	s13 =	smov.u32 s11;
	p0 =	por !p0, !p0;
	[sflag:s14] =	ssyncset.done @!p1 $0x0  }
0x20: {  	s12 =	smov.u32 s16;
	s11 =	smov.u32 s15;
	[sflag:s14] =	ssyncadd.s32 @!p1 $0xFFFFFF80  }
.LBB2_1:
0x21: {  	p1 =	sge.u32 s12, s8  }
0x22: {  	s14 =	sxor.u32 @!p1 $0xFFFFFFFF, s12  }
0x23: {  	s31 =	sadd.s32 $0xFFFFFFFF, s12;
	s15 =	sshrl.u32 @!p1 s11, $0x3;
	s14 =	sshll.u32 @!p1 s14, $0x7  }
0x24: {  	s16 =	sand.u32 @!p1 $0x7, s11;
	s15 =	sadd.s32 @!p1 s4, s15;
	s14 =	sand.u32 @!p1 $0x80, s14  }
0x25: {  	[tilespmem:s14], [sflag:$0x2] =	stream.linear.gather @!p1 [hbm4b:s15+s16], $0x80, $0x38;
	[tilespmem:$0x200] =	vst v63  }
0x26: {  	p1 =	sge.u32 s31, s8  }
.Ltmp2:
0x27: {  	_ = 	snop;
	(pc) =	sbr.rel @p1 .LBB2_5-.Ltmp2, $1  }
0x28: {  	_ =	sdelay $0x3  }
0x29: {  	s14 =	simm.s32 $0x1  }
0x2a: {  	_ =	swait.ge [sflag:s7], $0x80;
	s14 =	simm.s32 @!p0 $0x0  }
0x2b: {  	[sflag:s7] =	ssyncset.done $0x0;
	s14 =	sshll.u32 s14, $0x7  }
0x2c: {  	[sflag:s7] =	ssyncadd.s32 $0xFFFFFF80;
	(ifvalue) =	ssetifvalue $0x7FFFFFFF;
	v0 =	vld.msk [tilespmem:s14+$0x0 ss:$0x1], $0xffff;
	_ =	sdelay $0x4  }
0x2d: {  	s15 =	sadd.s32 $0x10, s14;
	vm1 =	vgt.s32 v0, $0x0  }
0x2e: {  	v2 =	vld.msk [tilespmem:s15+$0x0 ss:$0x1], $0xffff;
	v1 =	vnsel vm1, $0x0, v0  }
0x2f: {  	v1 =	vmin.u32 v1, $0xFFFF;
	_ =	sdelay $0x1  }
0x30: {  	s16 =	sshll.u32 s12, $0x7;
	s18 =	simm.s32 $0x20  }
0x31: {  	s16 =	sand.u32 $0x80, s16;
	s17 =	sadd.s32 $0x10, s15;
	s15 =	sor.u32 $0x100, s14  }
0x32: {  	s14 =	sor.u32 $0x100, s16;
	s16 =	sadd.s32 $0x10, s15;
	v0 =	vld.msk [tilespmem:s17+$0x0 ss:$0x1], $0xffff;
	vm1 =	vgt.s32 v2, $0x0;
	(ifvalue) =	ssetifvalue $0x7FFFFFFF  }
.LBB2_3:
0x33: {  	[tilespmem:s15], [sflag:$0x1] =	stream.indirect_vreg.gather [hbm4b:s2+s10], $0x1, v1, vm0, $0x4038;
	[tilespmem:$0x200] =	vst v63  }
0x34: {  	s18 =	sadd.s32 $0x10, s18  }
0x35: {  	v2 =	vnsel vm1, $0x0, v2;
	p1 =	slt.u32 s18, $0x70  }
.Ltmp3:
0x36: {  	s15 =	smov.u32 s16;
	v1 =	vmin.u32 v2, $0xFFFF;
	(pc) =	sbr.rel @p1 .LBB2_3-.Ltmp3, $3  }
0x37: {  	_ =	sdelay $0x1  }
0x38: {  	s17 =	sadd.s32 $0x10, s17  }
0x39: {  	vm1 =	vgt.s32 v0, $0x0;
	s16 =	sadd.s32 $0x10, s16;
	v2 =	vmov v0;
	(ifvalue) =	ssetifvalue $0x7FFFFFFF;
	v0 =	vld.msk [tilespmem:s17+$0x0 ss:$0x1], $0xffff  }
.Ltmp4:
0x3a: {  	_ = 	snop;
	(pc) =	sbr.rel .LBB2_4-.Ltmp4, $1  }
0x3b: {  	_ =	sdelay $0x3  }
.LBB2_6:
0x3c: {  	_ =	sfence.sel $0x180000  }
0x3d: {  	s2 =	simm.s32 $0x2;
	[bflag:$0x0] =	sbarrier.arrive $0xFFFF  }
0x3e: {  	s30 =	simm.s32 $0x3;
	[sflag:s2] =	ssyncpa.u1 $0x1  }
0x3f: {  	s31 =	simm.s32 $0x1;
	[sflag:s30] =	ssyncpa.u1 $0x1  }
0x40: {  	[sflag:s31] =	ssyncpa.u1 $0x1  }
0x41: {  	p0 =	sne.s32 s0, $0x0;
	_ =	strace $0x9000004D  }
0x42: {  	s0 =	sadd.s32 @!p0 $0x100000, s1;
	[bflag:$0x2] =	sbarrier.arrive $0xFFFF  }
0x43: {  	[sflag:s0] =	ssyncadd.tile.s32 @!p0 $0x1;
	_ =	shalt  }
.Lfunc_end2:
_tile_overlayer_lowered:
.L_overlay_start_2:
0x44: {  	(tag) =	ssettag $0x2  }
0x45: {  	s0 =	rddreg [dreg:$0x0];
	s2 =	stileid.u32  }
0x46: {  	s1 =	rddreg [dreg:$0x1];
	p0 =	sne.s32 s2, $0x0  }
0x47: {  	s3 =	rddreg [dreg:$0x2];
	[bflag:$0x3] =	sbarrier.arrive $0xFFFF;
	s2 =	simm.s32 @!p0 $0x1C01  }
0x48: {  	[timem:s3], [sflag:s2] =	dma.local @!p0 [hbm:s0], s1  }
0x49: {  	s0 =	simm.s32 @!p0 $0x1  }
0x4a: {  	_ =	swait.ge @!p0 [sflag:s0], s1  }
0x4b: {  	s1 =	ssub.s32 @!p0 $0x0, s1;
	[sflag:s0] =	ssyncset.done @!p0 $0x0  }
0x4c: {  	[sflag:s0] =	ssyncadd.s32 @!p0 s1  }
0x4d: {  	[bflag:$0x3] =	sbarrier.arrive $0xFFFF  }
0x4e: {  	_ =	shalt  }

// kernel: gather_offload_async_start
scs
__scs_entry_jumppad:
0x0: {  	(pc) =	sbr.rel $0x88, $3  }
0x1: {  	(tag) =	ssettag $0x0;
	lr =	simm.s32 $0x1  }
0x2: {  	[smem:$0x3F9C] =	sst lr;
	_ =	strace $0xD0000000  }
0x3: {  	_ = 	snop  }
0x4: {  	_ = 	snop  }
0x5: {  	_ = 	snop  }
0x6: {  	_ = 	snop  }
0x7: {  	_ = 	snop  }
__scs_overlays_trampoline_lowered:
0x8: {  	[smem:$0x3FAB] =	sst s0  }
0x9: {  	[smem:$0x3FAC] =	sst s1  }
0xa: {  	[smem:$0x3FAD] =	sst s2  }
0xb: {  	[smem:$0x3FAE] =	sst s3  }
0xc: {  	[smem:$0x3FAF] =	sst s4  }
0xd: {  	[smem:$0x3FB0] =	sst s5  }
0xe: {  	[smem:$0x3FB1] =	sst s6  }
0xf: {  	[smem:$0x3FB2] =	sst s7  }
0x10: {  	[smem:$0x3FB3] =	sst s8  }
0x11: {  	[smem:$0x3FB4] =	sst s9;
	s0 =	simm.s32 @!p0 $0x0  }
0x12: {  	s1 =	sld [smem:$0x3F9A];
	s0 =	simm.s32 @p0 $0x1  }
0x13: {  	[smem:$0x3FB5] =	sst s0;
	s0 =	simm.s32 @!p1 $0x0  }
0x14: {  	s2 =	sld [smem:$0x3F99];
	s0 =	simm.s32 @p1 $0x1  }
0x15: {  	[smem:$0x3FB6] =	sst s0;
	s0 =	simm.s32 @!p2 $0x0  }
0x16: {  	s3 =	sld [smem:$0x3FDB];
	s0 =	simm.s32 @p2 $0x1  }
0x17: {  	s4 =	simm.s32 $0x1BF5;
	[smem:$0x3FB8] =	sst s0  }
0x18: {  	s0 =	sld [smem:$0x3F9B];
	_ =	swait.ge [sflag:s4], $0x0  }
0x19: {  	s7 =	sld [smem:$0x3F9C]  }
0x1a: {  	s8 =	sadd.s32 $0xFFFFE003, lr  }
0x1b: {  	s9 =	sadd.s32 $0xFFFFFEF7, lr;
	s5 =	simm.s32 $0xFFFFFFFF;
	p2 =	slt.u32 s8, $0xFFFFF086  }
0x1c: {  	p1 =	slt.u32 s9, $0xF7A;
	s5 =	simm.s32 @!p2 $0x0  }
0x1d: {  	s5 =	simm.s32 @p1 $0x1;
	p0 =	seq.s32 s7, s2  }
0x1e: {  	s7 =	smul.u32 @!p0 $0xF7A, s2;
	p2 =	seq.s32 @!p0 s5, $0x0  }
0x1f: {  	s9 =	smul.u32 $0xF7A, s1;
	s8 =	simm.s32 @!p0 $0x1BF5;
	p2 =	por !p2, p0  }
0x20: {  	[sflag:s8] =	ssyncset.s32 @!p0 $0xFFFFF086;
	s6 =	sadd.s32 @!p0 s3, s7;
	s7 =	simm.s32 @!p0 $0x108  }
0x21: {  	s3 =	sadd.s32 s3, s9;
	s6 =	sadd.s32 @!p0 $0x88, s6;
	s7 =	simm.s32 @p2 $0x1082  }
0x22: {  	[simem:s7], [sflag:s8] =	dma.local @!p0 [hbm:s6], $0xF7A  }
0x23: {  	s9 =	sor.u32 $0xD0000000, s2;
	s6 =	simm.s32 $0x108;
	_ =	swait.ge @!p0 [sflag:s8], $0x0  }
0x24: {  	s3 =	sadd.s32 $0x88, s3;
	s6 =	simm.s32 @!p1 $0x1082;
	[sflag:s4] =	ssyncset.s32 $0xFFFFF086  }
0x25: {  	[simem:s6], [sflag:s4] =	dma.local [hbm:s3], $0xF7A  }
0x26: {  	[smem:$0x3F9C] =	sst s1;
	(tag) =	ssettag s2;
	_ =	strace s9  }
0x27: {  	s1 =	sld [smem:$0x3FAC]  }
0x28: {  	s2 =	sld [smem:$0x3FAD]  }
0x29: {  	s4 =	sld [smem:$0x3FAF]  }
0x2a: {  	p0 =	seq.s32 s5, $0x0;
	s5 =	sld [smem:$0x3FB0]  }
0x2b: {  	s6 =	sld [smem:$0x3FB1]  }
0x2c: {  	s7 =	sld [smem:$0x3FB2]  }
0x2d: {  	s3 =	simm.s32 $0x108;
	s8 =	sld [smem:$0x3FB3]  }
0x2e: {  	s3 =	simm.s32 @!p0 $0x1082;
	s9 =	sld [smem:$0x3FB4]  }
0x2f: {  	lr =	sadd.s32 s0, s3;
	s0 =	sld [smem:$0x3FAB]  }
0x30: {  	s3 =	sld [smem:$0x3FAE]  }
0x31: {  	[smem:$0x3FB7] =	sst s10  }
0x32: {  	s10 =	sld [smem:$0x3FB5];
	_ =	sdelay $0x3  }
0x33: {  	p0 =	seq.s32 s10, $0x1;
	s10 =	sld [smem:$0x3FB7];
	_ =	sdelay $0x3  }
0x34: {  	[smem:$0x3FB7] =	sst s10  }
0x35: {  	s10 =	sld [smem:$0x3FB6];
	_ =	sdelay $0x3  }
0x36: {  	p1 =	seq.s32 s10, $0x1;
	s10 =	sld [smem:$0x3FB7];
	_ =	sdelay $0x3  }
0x37: {  	[smem:$0x3FB7] =	sst s10  }
0x38: {  	s10 =	sld [smem:$0x3FB8]  }
0x39: {  	_ = 	snop;
	(pc) =	sbr.ind lr, $3  }
0x3a: {  	_ = 	snop  }
0x3b: {  	_ = 	snop  }
0x3c: {  	p2 =	seq.s32 s10, $0x1;
	s10 =	sld [smem:$0x3FB7]  }
0x3d: {  	_ =	shalt  }
0x3e: {  	_ =	shalt  }
0x3f: {  	_ =	shalt  }
0x40: {  	_ =	shalt  }
0x41: {  	_ =	shalt  }
0x42: {  	_ =	shalt  }
0x43: {  	_ =	shalt  }
0x44: {  	_ =	shalt  }
0x45: {  	_ =	shalt  }
0x46: {  	_ =	shalt  }
0x47: {  	_ =	shalt  }
0x48: {  	_ =	shalt  }
0x49: {  	_ =	shalt  }
0x4a: {  	_ =	shalt  }
0x4b: {  	_ =	shalt  }
0x4c: {  	_ =	shalt  }
0x4d: {  	_ =	shalt  }
0x4e: {  	_ =	shalt  }
0x4f: {  	_ =	shalt  }
0x50: {  	_ =	shalt  }
0x51: {  	_ =	shalt  }
0x52: {  	_ =	shalt  }
0x53: {  	_ =	shalt  }
0x54: {  	_ =	shalt  }
0x55: {  	_ =	shalt  }
0x56: {  	_ =	shalt  }
0x57: {  	_ =	shalt  }
0x58: {  	_ =	shalt  }
0x59: {  	_ =	shalt  }
0x5a: {  	_ =	shalt  }
0x5b: {  	_ =	shalt  }
0x5c: {  	_ =	shalt  }
0x5d: {  	_ =	shalt  }
0x5e: {  	_ =	shalt  }
0x5f: {  	_ =	shalt  }
0x60: {  	_ =	shalt  }
0x61: {  	_ =	shalt  }
0x62: {  	_ =	shalt  }
0x63: {  	_ =	shalt  }
0x64: {  	_ =	shalt  }
0x65: {  	_ =	shalt  }
0x66: {  	_ =	shalt  }
0x67: {  	_ =	shalt  }
0x68: {  	_ =	shalt  }
0x69: {  	_ =	shalt  }
0x6a: {  	_ =	shalt  }
0x6b: {  	_ =	shalt  }
0x6c: {  	_ =	shalt  }
0x6d: {  	_ =	shalt  }
0x6e: {  	_ =	shalt  }
0x6f: {  	_ =	shalt  }
0x70: {  	_ =	shalt  }
0x71: {  	_ =	shalt  }
0x72: {  	_ =	shalt  }
0x73: {  	_ =	shalt  }
0x74: {  	_ =	shalt  }
0x75: {  	_ =	shalt  }
0x76: {  	_ =	shalt  }
0x77: {  	_ =	shalt  }
0x78: {  	_ =	shalt  }
0x79: {  	_ =	shalt  }
0x7a: {  	_ =	shalt  }
0x7b: {  	_ =	shalt  }
0x7c: {  	_ =	shalt  }
0x7d: {  	_ =	shalt  }
0x7e: {  	_ =	shalt  }
0x7f: {  	_ =	shalt  }
0x80: {  	_ =	shalt  }
0x81: {  	_ =	shalt  }
0x82: {  	_ =	shalt  }
0x83: {  	_ =	shalt  }
0x84: {  	_ =	shalt  }
0x85: {  	_ =	shalt  }
0x86: {  	_ =	shalt  }
0x87: {  	_ =	shalt  }
.Lfunc_end0:
.L_simem_size_0:
called_computation_lowered:
.L_overlay_start_0:
0x88: {  	s2 =	sld [smem:$0x3FD9]  }
0x89: {  	s3 =	sld [smem:$0x3FFE];
	_ =	sdelay $0x1  }
0x8a: {  	s1 =	srdreg.scid  }
0x8b: {  	s0 =	sand.u32 $0x1, s1  }
0x8c: {  	s17 =	sshll.u32 s0, $0xA;
	s2 =	sadd.s32 s3, s2  }
0x8d: {  	s2 =	sadd.s32 s2, s17  }
0x8e: {  	[smem:$0x3FC3] =	sst s2  }
0x8f: {  	_ = 	snop  }
0x90: {  	s2 =	sld [smem:$0x3FD0];
	(tm) =	ssettm $0x1  }
0x91: {  	s18 =	sld [smem:$0x3FFB];
	_ =	sdelay $0x3  }
0x92: {  	_ =	strace s18  }
0x93: {  	s3 =	sld [smem:$0x3FFC];
	_ =	sdelay $0x3  }
0x94: {  	_ =	strace s3  }
0x95: {  	s3 =	sld [smem:$0x3FFD];
	_ =	sdelay $0x3  }
0x96: {  	_ =	strace s3  }
0x97: {  	_ =	strace $0x8FFFFFFF  }
0x98: {  	s19 =	sld [smem:$0x3FDB];
	_ =	sdelay $0x1  }
0x99: {  	s4 =	simm.s32 $_scs_section_size  }
0x9a: {  	s5 =	simm.s32 $_size__tile_overlayer_lowered;
	s6 =	simm.s32 $_tile_overlayer_lowered  }
0x9b: {  	s22 =	simm.s32 $0x1BFF;
	s21 =	sshll.u32 s6, $0x1;
	s3 =	sadd.s32 s4, s19  }
0x9c: {  	s7 =	simm.s32 $0x0;
	s20 =	sshll.u32 s5, $0x1;
	s5 =	sadd.s32 s21, s3  }
0x9d: {  	[timem:s7], [sflag:s22] =	dma.local [hbm:s5], s20  }
0x9e: {  	_ =	swait.ge [sflag:s22], s20  }
0x9f: {  	s4 =	ssub.s32 $0x0, s20;
	[sflag:s22] =	ssyncset.done $0x0  }
0xa0: {  	[sflag:s22] =	ssyncadd.s32 s4;
	_ =	sdelay $0x1  }
0xa1: {  	s23 =	simm.s32 $0x1B8B  }
0xa2: {  	_ =	swait.ge [sflag:s23], $0x1  }
0xa3: {  	[sflag:s23] =	ssyncset.done $0x0  }
0xa4: {  	s25 =	simm.s32 $0x1B8E;
	s24 =	sld [smem:$0x3FFE];
	[sflag:s23] =	ssyncadd.s32 $0xFFFFFFFF  }
0xa5: {  	s26 =	simm.s32 $execute0_lowered;
	[smem:$0x3FD2] =	sst s25  }
0xa6: {  	s5 =	sshll.u32 s26, $0x1;
	_ =	strace $0x80000049;
	[dreg:$0x1] =	wrdreg $0xFFFFFFFF  }
0xa7: {  	s28 =	simm.s32 $_size_execute0_lowered;
	s3 =	sadd.s32 s3, s5;
	[dreg:$0x0] =	wrdreg $0x0  }
0xa8: {  	s5 =	sshll.u32 s28, $0x1;
	[dreg:$0x2] =	wrdreg s3  }
0xa9: {  	[dreg:$0x3] =	wrdreg s5  }
0xaa: {  	[dreg:$0x4] =	wrdreg $0xC0  }
0xab: {  	_ =	task [dreg:s7], $0x5FFFF  }
0xac: {  	[dreg:$0x1] =	wrdreg $0xFFFFFFFF  }
0xad: {  	[dreg:$0x0] =	wrdreg $0x60  }
0xae: {  	[dreg:$0x2] =	wrdreg s24  }
0xaf: {  	[dreg:$0x3] =	wrdreg s2  }
0xb0: {  	[dreg:$0x4] =	wrdreg $0x9  }
0xb1: {  	_ =	task.clear_ibuf [dreg:s7], $0x5FFFF;
	_ =	strace $0x90000049  }
0xb2: {  	s29 =	simm.s32 $0x9;
	_ =	strace $0x8000004B  }
0xb3: {  	_ =	swait.ge [sflag:s29], $0x1  }
0xb4: {  	[sflag:s29] =	ssyncadd.s32 $0xFFFFFFFF  }
0xb5: {  	_ =	strace $0x9000004B  }
0xb6: {  	_ =	sfence  }
0xb7: {  	s30 =	sld [smem:$0x0];
	_ =	sdelay $0x2  }
0xb8: {  	s31 =	sshll.u32 s1, $0xD;
	s1 =	sshrl.u32 s1, $0x2  }
0xb9: {  	s3 =	sand.u32 $0x4000, s31;
	s1 =	sadd.s32 s1, s30  }
0xba: {  	s0 =	sor.u32 s3, s0;
	s1 =	sshll.u32 s1, $0x11  }
0xbb: {  	s0 =	sor.u32 s1, s0  }
0xbc: {  	s0 =	sadd.s32 $0x8F2B, s0  }
0xbd: {  	[sflag:s0] =	ssyncadd.remote.s32 $0x1  }
0xbe: {  	_ =	sfence.sel $0xFFFF  }
0xbf: {  	[dreg:$0x0] =	wrdreg $0xFFFFFFFF;
	(pc) =	sbr.abs _section_cstart, $3  }
0xc0: {  	[dreg:$0x1] =	wrdreg $0xFFFFFFFF  }
0xc1: {  	_ =	task.clear_ibuf [dreg:s7], $0x2FFFF;
	_ =	strace $0x9FFFFFFF  }
0xc2: {  	(tm) =	ssettm $0x7FFFFFFF  }
0xc3: {  	_ =	shalt  }
tec
execute0_lowered:
.L_overlay_start_1:
0x0: {  	(tag) =	ssettag $0x1  }
0x1: {  	s1 =	srdreg.scid;
	s5 =	rddreg [dreg:$0x0]  }
0x2: {  	s0 =	stileid.u32;
	s2 =	rddreg [dreg:$0x1];
	s6 =	simm.s32 $0x1  }
0x3: {  	s9 =	simm.s32 $0x1;
	s10 =	simm.s32 $0x3;
	s1 =	sshll.u32 s1, $0xA  }
0x4: {  	s13 =	simm.s32 $0x0;
	s3 =	sshll.u32 s0, $0xB;
	s4 =	sand.u32 $0x400, s1  }
0x5: {  	s12 =	simm.s32 $0x0;
	s1 =	rddreg [dreg:$0x2];
	s3 =	sor.u32 s3, s4  }
0x6: {  	_ =	strace $0x8000004A;
	s4 =	sadd.s32 $0x2A00, s5;
	s8 =	ssub.s32 $0x10000, s3  }
.Ltmp0:
0x7: {  	s5 =	sadd.s32 $0x4A00, s5;
	s7 =	sand.u32 $0x7C00, s8;
	(pc) =	sbr.rel .LBB2_1-.Ltmp0, $4  }
0x8: {  	[sflag:s6] =	ssyncpa.u1 $0x0;
	s11 =	smov.u32 s3;
	p0 =	sne.s32 s7, $0x0  }
0x9: {  	s8 =	sshrl.u32 s8, $0xF;
	s7 =	simm.s32 $0x2;
	s9 =	simm.s32 @!p0 $0x0  }
0xa: {  	[sflag:s7] =	ssyncpa.u1 $0x0;
	p0 =	por $0x0, $0x0;
	s8 =	sadd.s32 s9, s8  }
0xb: {  	vm0 =	vmmov $0xffff;
	[sflag:s10] =	ssyncpa.u1 $0x0;
	s10 =	simm.s32 $0x0;
	s9 =	sadd.s32 $0x1, s8  }
.LBB2_4:
0xc: {  	v2 =	vnsel vm1, $0x0, v2  }
0xd: {  	vm1 =	vgt.s32 v0, $0x0;
	v2 =	vmin.u32 v2, $0xFFFF  }
0xe: {  	v0 =	vnsel vm1, $0x0, v0  }
0xf: {  	v0 =	vmin.u32 v0, $0xFFFF  }
0x10: {  	[tilespmem:s15], [sflag:$0x1] =	stream.indirect_vreg.gather [hbm4b:s4+s10], $0x1, v1, vm0, $0x4038;
	[tilespmem:$0x1000] =	vst v63  }
0x11: {  	(ifvalue) =	ssetifvalue $0x7FFFFFFF  }
0x12: {  	[tilespmem:s16], [sflag:$0x1] =	stream.indirect_vreg.gather [hbm4b:s4+s10], $0x1, v2, vm0, $0x4038;
	[tilespmem:$0x1000] =	vst v63  }
0x13: {  	s29 =	sadd.s32 $0x10, s16;
	(ifvalue) =	ssetifvalue $0x7FFFFFFF  }
0x14: {  	[tilespmem:s29], [sflag:$0x1] =	stream.indirect_vreg.gather [hbm4b:s4+s10], $0x1, v0, vm0, $0x4038;
	[tilespmem:$0x1000] =	vst v63  }
0x15: {  	_ =	swait.ge [sflag:s6], $0x400  }
0x16: {  	s30 =	sshrl.u32 s13, $0x3;
	[sflag:s6] =	ssyncset.done $0x0  }
0x17: {  	s31 =	sand.u32 $0x7, s13;
	s15 =	sadd.s32 s2, s30;
	[sflag:s6] =	ssyncadd.s32 $0xFFFFFC00  }
0x18: {  	[hbm4b:s15+s31] =	stream.linear.scatter [tilespmem:s14], [sflag:$0x3], $0x400, $0x38;
	[tilespmem:$0x1000] =	vst v63  }
.LBB2_5:
0x19: {  	s15 =	sadd.s32 $0x8000, s11  }
0x1a: {  	p2 =	sgt.s32 s15, $0xFFFF  }
0x1b: {  	s15 =	smov.u32 @p2 s3;
	p2 =	sne.s32 s12, s9  }
.Ltmp1:
0x1c: {  	p1 =	slt.u32 s12, $0x2;
	(pc) =	sbr.rel @!p2 .LBB2_6-.Ltmp1, $4  }
0x1d: {  	s14 =	simm.s32 @!p1 $0x3  }
0x1e: {  	s16 =	sadd.s32 $0x1, s12;
	_ =	swait.ge @!p1 [sflag:s14], $0x400  }
0x1f: {  	s13 =	smov.u32 s11;
	p0 =	por !p0, !p0;
	[sflag:s14] =	ssyncset.done @!p1 $0x0  }
0x20: {  	s12 =	smov.u32 s16;
	s11 =	smov.u32 s15;
	[sflag:s14] =	ssyncadd.s32 @!p1 $0xFFFFFC00  }
.LBB2_1:
0x21: {  	p1 =	sge.u32 s12, s8  }
0x22: {  	s14 =	sxor.u32 @!p1 $0xFFFFFFFF, s12  }
0x23: {  	s31 =	sadd.s32 $0xFFFFFFFF, s12;
	s15 =	sshrl.u32 @!p1 s11, $0x3;
	s14 =	sshll.u32 @!p1 s14, $0xA  }
0x24: {  	s16 =	sand.u32 @!p1 $0x7, s11;
	s15 =	sadd.s32 @!p1 s5, s15;
	s14 =	sand.u32 @!p1 $0x400, s14  }
0x25: {  	[tilespmem:s14], [sflag:$0x2] =	stream.linear.gather @!p1 [hbm4b:s15+s16], $0x400, $0x38;
	[tilespmem:$0x1000] =	vst v63  }
0x26: {  	p1 =	sge.u32 s31, s8  }
.Ltmp2:
0x27: {  	_ = 	snop;
	(pc) =	sbr.rel @p1 .LBB2_5-.Ltmp2, $1  }
0x28: {  	_ =	sdelay $0x3  }
0x29: {  	s14 =	simm.s32 $0x1  }
0x2a: {  	_ =	swait.ge [sflag:s7], $0x400;
	s14 =	simm.s32 @!p0 $0x0  }
0x2b: {  	[sflag:s7] =	ssyncset.done $0x0;
	s14 =	sshll.u32 s14, $0xA  }
0x2c: {  	[sflag:s7] =	ssyncadd.s32 $0xFFFFFC00;
	(ifvalue) =	ssetifvalue $0x7FFFFFFF;
	v0 =	vld.msk [tilespmem:s14+$0x0 ss:$0x1], $0xffff;
	_ =	sdelay $0x4  }
0x2d: {  	s15 =	sadd.s32 $0x10, s14;
	vm1 =	vgt.s32 v0, $0x0  }
0x2e: {  	v2 =	vld.msk [tilespmem:s15+$0x0 ss:$0x1], $0xffff;
	v1 =	vnsel vm1, $0x0, v0  }
0x2f: {  	v1 =	vmin.u32 v1, $0xFFFF;
	_ =	sdelay $0x1  }
0x30: {  	s16 =	sshll.u32 s12, $0xA;
	s18 =	simm.s32 $0x20  }
0x31: {  	s16 =	sand.u32 $0x400, s16;
	s17 =	sadd.s32 $0x10, s15;
	s15 =	sor.u32 $0x800, s14  }
0x32: {  	s14 =	sor.u32 $0x800, s16;
	s16 =	sadd.s32 $0x10, s15;
	v0 =	vld.msk [tilespmem:s17+$0x0 ss:$0x1], $0xffff;
	vm1 =	vgt.s32 v2, $0x0;
	(ifvalue) =	ssetifvalue $0x7FFFFFFF  }
.LBB2_3:
0x33: {  	[tilespmem:s15], [sflag:$0x1] =	stream.indirect_vreg.gather [hbm4b:s4+s10], $0x1, v1, vm0, $0x4038;
	[tilespmem:$0x1000] =	vst v63  }
0x34: {  	s18 =	sadd.s32 $0x10, s18  }
0x35: {  	v2 =	vnsel vm1, $0x0, v2;
	p1 =	slt.u32 s18, $0x3F0  }
.Ltmp3:
0x36: {  	s15 =	smov.u32 s16;
	v1 =	vmin.u32 v2, $0xFFFF;
	(pc) =	sbr.rel @p1 .LBB2_3-.Ltmp3, $3  }
0x37: {  	_ =	sdelay $0x1  }
0x38: {  	s17 =	sadd.s32 $0x10, s17  }
0x39: {  	vm1 =	vgt.s32 v0, $0x0;
	s16 =	sadd.s32 $0x10, s16;
	v2 =	vmov v0;
	(ifvalue) =	ssetifvalue $0x7FFFFFFF;
	v0 =	vld.msk [tilespmem:s17+$0x0 ss:$0x1], $0xffff  }
.Ltmp4:
0x3a: {  	_ = 	snop;
	(pc) =	sbr.rel .LBB2_4-.Ltmp4, $1  }
0x3b: {  	_ =	sdelay $0x3  }
.LBB2_6:
0x3c: {  	_ =	sfence.sel $0x180000  }
0x3d: {  	s2 =	simm.s32 $0x2;
	[bflag:$0x0] =	sbarrier.arrive $0xFFFF  }
0x3e: {  	s30 =	simm.s32 $0x3;
	[sflag:s2] =	ssyncpa.u1 $0x1  }
0x3f: {  	s31 =	simm.s32 $0x1;
	[sflag:s30] =	ssyncpa.u1 $0x1  }
0x40: {  	[sflag:s31] =	ssyncpa.u1 $0x1  }
0x41: {  	p0 =	sne.s32 s0, $0x0;
	_ =	strace $0x9000004A  }
0x42: {  	s0 =	sadd.s32 @!p0 $0x100000, s1;
	[bflag:$0x2] =	sbarrier.arrive $0xFFFF  }
0x43: {  	[sflag:s0] =	ssyncadd.tile.s32 @!p0 $0x1;
	_ =	shalt  }
.Lfunc_end2:
_tile_overlayer_lowered:
.L_overlay_start_2:
0x44: {  	(tag) =	ssettag $0x2  }
0x45: {  	s0 =	rddreg [dreg:$0x0];
	s2 =	stileid.u32  }
0x46: {  	s1 =	rddreg [dreg:$0x1];
	p0 =	sne.s32 s2, $0x0  }
0x47: {  	s3 =	rddreg [dreg:$0x2];
	[bflag:$0x3] =	sbarrier.arrive $0xFFFF;
	s2 =	simm.s32 @!p0 $0x1C01  }
0x48: {  	[timem:s3], [sflag:s2] =	dma.local @!p0 [hbm:s0], s1  }
0x49: {  	s0 =	simm.s32 @!p0 $0x1  }
0x4a: {  	_ =	swait.ge @!p0 [sflag:s0], s1  }
0x4b: {  	s1 =	ssub.s32 @!p0 $0x0, s1;
	[sflag:s0] =	ssyncset.done @!p0 $0x0  }
0x4c: {  	[sflag:s0] =	ssyncadd.s32 @!p0 s1  }
0x4d: {  	[bflag:$0x3] =	sbarrier.arrive $0xFFFF  }
0x4e: {  	_ =	shalt  }

// kernel: kernel.10.cloned.1.call-start
scs
__scs_entry_jumppad:
0x0: {  	(pc) =	sbr.rel $0x88, $3  }
0x1: {  	(tag) =	ssettag $0x0;
	lr =	simm.s32 $0x1  }
0x2: {  	[smem:$0x3F9C] =	sst lr;
	_ =	strace $0xD0000000  }
0x3: {  	_ = 	snop  }
0x4: {  	_ = 	snop  }
0x5: {  	_ = 	snop  }
0x6: {  	_ = 	snop  }
0x7: {  	_ = 	snop  }
__scs_overlays_trampoline_lowered:
0x8: {  	[smem:$0x3FAB] =	sst s0  }
0x9: {  	[smem:$0x3FAC] =	sst s1  }
0xa: {  	[smem:$0x3FAD] =	sst s2  }
0xb: {  	[smem:$0x3FAE] =	sst s3  }
0xc: {  	[smem:$0x3FAF] =	sst s4  }
0xd: {  	[smem:$0x3FB0] =	sst s5  }
0xe: {  	[smem:$0x3FB1] =	sst s6  }
0xf: {  	[smem:$0x3FB2] =	sst s7  }
0x10: {  	[smem:$0x3FB3] =	sst s8  }
0x11: {  	[smem:$0x3FB4] =	sst s9;
	s0 =	simm.s32 @!p0 $0x0  }
0x12: {  	s1 =	sld [smem:$0x3F9A];
	s0 =	simm.s32 @p0 $0x1  }
0x13: {  	[smem:$0x3FB5] =	sst s0;
	s0 =	simm.s32 @!p1 $0x0  }
0x14: {  	s2 =	sld [smem:$0x3F99];
	s0 =	simm.s32 @p1 $0x1  }
0x15: {  	[smem:$0x3FB6] =	sst s0;
	s0 =	simm.s32 @!p2 $0x0  }
0x16: {  	s3 =	sld [smem:$0x3FDB];
	s0 =	simm.s32 @p2 $0x1  }
0x17: {  	s4 =	simm.s32 $0x1BF5;
	[smem:$0x3FB8] =	sst s0  }
0x18: {  	s0 =	sld [smem:$0x3F9B];
	_ =	swait.ge [sflag:s4], $0x0  }
0x19: {  	s7 =	sld [smem:$0x3F9C]  }
0x1a: {  	s8 =	sadd.s32 $0xFFFFE003, lr  }
0x1b: {  	s9 =	sadd.s32 $0xFFFFFEF7, lr;
	s5 =	simm.s32 $0xFFFFFFFF;
	p2 =	slt.u32 s8, $0xFFFFF086  }
0x1c: {  	p1 =	slt.u32 s9, $0xF7A;
	s5 =	simm.s32 @!p2 $0x0  }
0x1d: {  	s5 =	simm.s32 @p1 $0x1;
	p0 =	seq.s32 s7, s2  }
0x1e: {  	s7 =	smul.u32 @!p0 $0xF7A, s2;
	p2 =	seq.s32 @!p0 s5, $0x0  }
0x1f: {  	s9 =	smul.u32 $0xF7A, s1;
	s8 =	simm.s32 @!p0 $0x1BF5;
	p2 =	por !p2, p0  }
0x20: {  	[sflag:s8] =	ssyncset.s32 @!p0 $0xFFFFF086;
	s6 =	sadd.s32 @!p0 s3, s7;
	s7 =	simm.s32 @!p0 $0x108  }
0x21: {  	s3 =	sadd.s32 s3, s9;
	s6 =	sadd.s32 @!p0 $0x88, s6;
	s7 =	simm.s32 @p2 $0x1082  }
0x22: {  	[simem:s7], [sflag:s8] =	dma.local @!p0 [hbm:s6], $0xF7A  }
0x23: {  	s9 =	sor.u32 $0xD0000000, s2;
	s6 =	simm.s32 $0x108;
	_ =	swait.ge @!p0 [sflag:s8], $0x0  }
0x24: {  	s3 =	sadd.s32 $0x88, s3;
	s6 =	simm.s32 @!p1 $0x1082;
	[sflag:s4] =	ssyncset.s32 $0xFFFFF086  }
0x25: {  	[simem:s6], [sflag:s4] =	dma.local [hbm:s3], $0xF7A  }
0x26: {  	[smem:$0x3F9C] =	sst s1;
	(tag) =	ssettag s2;
	_ =	strace s9  }
0x27: {  	s1 =	sld [smem:$0x3FAC]  }
0x28: {  	s2 =	sld [smem:$0x3FAD]  }
0x29: {  	s4 =	sld [smem:$0x3FAF]  }
0x2a: {  	p0 =	seq.s32 s5, $0x0;
	s5 =	sld [smem:$0x3FB0]  }
0x2b: {  	s6 =	sld [smem:$0x3FB1]  }
0x2c: {  	s7 =	sld [smem:$0x3FB2]  }
0x2d: {  	s3 =	simm.s32 $0x108;
	s8 =	sld [smem:$0x3FB3]  }
0x2e: {  	s3 =	simm.s32 @!p0 $0x1082;
	s9 =	sld [smem:$0x3FB4]  }
0x2f: {  	lr =	sadd.s32 s0, s3;
	s0 =	sld [smem:$0x3FAB]  }
0x30: {  	s3 =	sld [smem:$0x3FAE]  }
0x31: {  	[smem:$0x3FB7] =	sst s10  }
0x32: {  	s10 =	sld [smem:$0x3FB5];
	_ =	sdelay $0x3  }
0x33: {  	p0 =	seq.s32 s10, $0x1;
	s10 =	sld [smem:$0x3FB7];
	_ =	sdelay $0x3  }
0x34: {  	[smem:$0x3FB7] =	sst s10  }
0x35: {  	s10 =	sld [smem:$0x3FB6];
	_ =	sdelay $0x3  }
0x36: {  	p1 =	seq.s32 s10, $0x1;
	s10 =	sld [smem:$0x3FB7];
	_ =	sdelay $0x3  }
0x37: {  	[smem:$0x3FB7] =	sst s10  }
0x38: {  	s10 =	sld [smem:$0x3FB8]  }
0x39: {  	_ = 	snop;
	(pc) =	sbr.ind lr, $3  }
0x3a: {  	_ = 	snop  }
0x3b: {  	_ = 	snop  }
0x3c: {  	p2 =	seq.s32 s10, $0x1;
	s10 =	sld [smem:$0x3FB7]  }
0x3d: {  	_ =	shalt  }
0x3e: {  	_ =	shalt  }
0x3f: {  	_ =	shalt  }
0x40: {  	_ =	shalt  }
0x41: {  	_ =	shalt  }
0x42: {  	_ =	shalt  }
0x43: {  	_ =	shalt  }
0x44: {  	_ =	shalt  }
0x45: {  	_ =	shalt  }
0x46: {  	_ =	shalt  }
0x47: {  	_ =	shalt  }
0x48: {  	_ =	shalt  }
0x49: {  	_ =	shalt  }
0x4a: {  	_ =	shalt  }
0x4b: {  	_ =	shalt  }
0x4c: {  	_ =	shalt  }
0x4d: {  	_ =	shalt  }
0x4e: {  	_ =	shalt  }
0x4f: {  	_ =	shalt  }
0x50: {  	_ =	shalt  }
0x51: {  	_ =	shalt  }
0x52: {  	_ =	shalt  }
0x53: {  	_ =	shalt  }
0x54: {  	_ =	shalt  }
0x55: {  	_ =	shalt  }
0x56: {  	_ =	shalt  }
0x57: {  	_ =	shalt  }
0x58: {  	_ =	shalt  }
0x59: {  	_ =	shalt  }
0x5a: {  	_ =	shalt  }
0x5b: {  	_ =	shalt  }
0x5c: {  	_ =	shalt  }
0x5d: {  	_ =	shalt  }
0x5e: {  	_ =	shalt  }
0x5f: {  	_ =	shalt  }
0x60: {  	_ =	shalt  }
0x61: {  	_ =	shalt  }
0x62: {  	_ =	shalt  }
0x63: {  	_ =	shalt  }
0x64: {  	_ =	shalt  }
0x65: {  	_ =	shalt  }
0x66: {  	_ =	shalt  }
0x67: {  	_ =	shalt  }
0x68: {  	_ =	shalt  }
0x69: {  	_ =	shalt  }
0x6a: {  	_ =	shalt  }
0x6b: {  	_ =	shalt  }
0x6c: {  	_ =	shalt  }
0x6d: {  	_ =	shalt  }
0x6e: {  	_ =	shalt  }
0x6f: {  	_ =	shalt  }
0x70: {  	_ =	shalt  }
0x71: {  	_ =	shalt  }
0x72: {  	_ =	shalt  }
0x73: {  	_ =	shalt  }
0x74: {  	_ =	shalt  }
0x75: {  	_ =	shalt  }
0x76: {  	_ =	shalt  }
0x77: {  	_ =	shalt  }
0x78: {  	_ =	shalt  }
0x79: {  	_ =	shalt  }
0x7a: {  	_ =	shalt  }
0x7b: {  	_ =	shalt  }
0x7c: {  	_ =	shalt  }
0x7d: {  	_ =	shalt  }
0x7e: {  	_ =	shalt  }
0x7f: {  	_ =	shalt  }
0x80: {  	_ =	shalt  }
0x81: {  	_ =	shalt  }
0x82: {  	_ =	shalt  }
0x83: {  	_ =	shalt  }
0x84: {  	_ =	shalt  }
0x85: {  	_ =	shalt  }
0x86: {  	_ =	shalt  }
0x87: {  	_ =	shalt  }
.Lfunc_end0:
.L_simem_size_0:
called_computation.4_lowered:
.L_overlay_start_0:
0x88: {  	s2 =	sld [smem:$0x3FD9]  }
0x89: {  	s3 =	sld [smem:$0x3FFE];
	_ =	sdelay $0x1  }
0x8a: {  	s1 =	srdreg.scid  }
0x8b: {  	s0 =	sand.u32 $0x1, s1  }
0x8c: {  	s17 =	sshll.u32 s0, $0xA;
	s2 =	sadd.s32 s3, s2  }
0x8d: {  	s2 =	sadd.s32 s2, s17  }
0x8e: {  	[smem:$0x3FC3] =	sst s2  }
0x8f: {  	_ = 	snop  }
0x90: {  	s2 =	sld [smem:$0x3FD0];
	(tm) =	ssettm $0x1  }
0x91: {  	s18 =	sld [smem:$0x3FFB];
	_ =	sdelay $0x3  }
0x92: {  	_ =	strace s18  }
0x93: {  	s3 =	sld [smem:$0x3FFC];
	_ =	sdelay $0x3  }
0x94: {  	_ =	strace s3  }
0x95: {  	s3 =	sld [smem:$0x3FFD];
	_ =	sdelay $0x3  }
0x96: {  	_ =	strace s3  }
0x97: {  	_ =	strace $0x8FFFFFFF  }
0x98: {  	s19 =	sld [smem:$0x3FDB];
	_ =	sdelay $0x1  }
0x99: {  	s4 =	simm.s32 $_scs_section_size  }
0x9a: {  	s5 =	simm.s32 $_size__tile_overlayer_lowered;
	s6 =	simm.s32 $_tile_overlayer_lowered  }
0x9b: {  	s22 =	simm.s32 $0x1BFF;
	s21 =	sshll.u32 s6, $0x1;
	s3 =	sadd.s32 s4, s19  }
0x9c: {  	s7 =	simm.s32 $0x0;
	s20 =	sshll.u32 s5, $0x1;
	s5 =	sadd.s32 s21, s3  }
0x9d: {  	[timem:s7], [sflag:s22] =	dma.local [hbm:s5], s20  }
0x9e: {  	_ =	swait.ge [sflag:s22], s20  }
0x9f: {  	s4 =	ssub.s32 $0x0, s20;
	[sflag:s22] =	ssyncset.done $0x0  }
0xa0: {  	[sflag:s22] =	ssyncadd.s32 s4;
	_ =	sdelay $0x1  }
0xa1: {  	s23 =	simm.s32 $0x1B8B  }
0xa2: {  	_ =	swait.ge [sflag:s23], $0x1  }
0xa3: {  	[sflag:s23] =	ssyncset.done $0x0  }
0xa4: {  	s25 =	simm.s32 $0x1B8E;
	s24 =	sld [smem:$0x3FFE];
	[sflag:s23] =	ssyncadd.s32 $0xFFFFFFFF  }
0xa5: {  	s26 =	simm.s32 $execute0_lowered;
	[smem:$0x3FD2] =	sst s25  }
0xa6: {  	s5 =	sshll.u32 s26, $0x1;
	_ =	strace $0x80000052;
	[dreg:$0x1] =	wrdreg $0xFFFFFFFF  }
0xa7: {  	s28 =	simm.s32 $_size_execute0_lowered;
	s3 =	sadd.s32 s3, s5;
	[dreg:$0x0] =	wrdreg $0x0  }
0xa8: {  	s5 =	sshll.u32 s28, $0x1;
	[dreg:$0x2] =	wrdreg s3  }
0xa9: {  	[dreg:$0x3] =	wrdreg s5  }
0xaa: {  	[dreg:$0x4] =	wrdreg $0xC0  }
0xab: {  	_ =	task [dreg:s7], $0x5FFFF  }
0xac: {  	[dreg:$0x1] =	wrdreg $0xFFFFFFFF  }
0xad: {  	[dreg:$0x0] =	wrdreg $0x60  }
0xae: {  	[dreg:$0x2] =	wrdreg s2  }
0xaf: {  	[dreg:$0x3] =	wrdreg s24  }
0xb0: {  	[dreg:$0x4] =	wrdreg $0x9  }
0xb1: {  	_ =	task.clear_ibuf [dreg:s7], $0x5FFFF;
	_ =	strace $0x90000052  }
0xb2: {  	s29 =	simm.s32 $0x9;
	_ =	strace $0x80000054  }
0xb3: {  	_ =	swait.ge [sflag:s29], $0x1  }
0xb4: {  	[sflag:s29] =	ssyncadd.s32 $0xFFFFFFFF  }
0xb5: {  	_ =	strace $0x90000054  }
0xb6: {  	_ =	sfence  }
0xb7: {  	s30 =	sld [smem:$0x0];
	_ =	sdelay $0x2  }
0xb8: {  	s31 =	sshll.u32 s1, $0xD;
	s1 =	sshrl.u32 s1, $0x2  }
0xb9: {  	s3 =	sand.u32 $0x4000, s31;
	s1 =	sadd.s32 s1, s30  }
0xba: {  	s0 =	sor.u32 s3, s0;
	s1 =	sshll.u32 s1, $0x11  }
0xbb: {  	s0 =	sor.u32 s1, s0  }
0xbc: {  	s0 =	sadd.s32 $0x8F2B, s0  }
0xbd: {  	[sflag:s0] =	ssyncadd.remote.s32 $0x1  }
0xbe: {  	_ =	sfence.sel $0xFFFF  }
0xbf: {  	[dreg:$0x0] =	wrdreg $0xFFFFFFFF;
	(pc) =	sbr.abs _section_cstart, $3  }
0xc0: {  	[dreg:$0x1] =	wrdreg $0xFFFFFFFF  }
0xc1: {  	_ =	task.clear_ibuf [dreg:s7], $0x2FFFF;
	_ =	strace $0x9FFFFFFF  }
0xc2: {  	(tm) =	ssettm $0x7FFFFFFF  }
0xc3: {  	_ =	shalt  }
tec
execute0_lowered:
.L_overlay_start_1:
0x0: {  	(tag) =	ssettag $0x1  }
0x1: {  	s1 =	rddreg [dreg:$0x0]  }
0x2: {  	s0 =	rddreg [dreg:$0x1];
	s2 =	simm.s32 $0x0;
	s3 =	srdreg.scid  }
0x3: {  	s4 =	stileid.u32;
	s17 =	simm.s32 $0x3;
	s19 =	simm.s32 $0x200  }
0x4: {  	s28 =	simm.s32 $0x6200;
	s21 =	simm.s32 $0x12200;
	s29 =	simm.s32 $0x14A00  }
0x5: {  	s30 =	simm.s32 $0x15200;
	s31 =	simm.s32 $0x15A00;
	s11 =	simm.s32 $0x2  }
0x6: {  	s20 =	simm.s32 $0x0;
	[smem:$0x7FF] =	sst s2;
	s8 =	sadd.s32 $0x2A00, s0  }
0x7: {  	s3 =	sand.u32 $0x1, s3;
	s9 =	sadd.s32 $0x3A00, s0;
	s4 =	sshll.u32 s4, $0xB  }
0x8: {  	s6 =	sadd.s32 $0x4A00, s0;
	s0 =	sadd.s32 $0x304A00, s0;
	s10 =	sadd.s32 $0x200, s1  }
0x9: {  	_ =	strace $0x80000053;
	s5 =	sshll.u32 s3, $0xA;
	s3 =	ssub.s32 $0x2, s3  }
0xa: {  	[dreg:$0x3] =	wrdreg s8;
	s4 =	sor.u32 s5, s4;
	s22 =	sshrl.u32 s3, $0x1  }
0xb: {  	[dreg:$0x4] =	wrdreg s9;
	s7 =	sshrl.u32 s4, $0x3;
	s3 =	ssub.s32 s3, s22  }
0xc: {  	s24 =	sor.u32 $0x20, s4;
	s26 =	sor.u32 $0x40, s4;
	s4 =	simm.s32 $0x17200  }
0xd: {  	s23 =	sadd.s32 s8, s7;
	s25 =	sadd.s32 s9, s7;
	s7 =	smul.u32 $0x300, s7  }
0xe: {  	s8 =	sshrl.u32 s24, $0x3;
	s9 =	sadd.s32 $0x100, s1;
	s3 =	smax.u32 s3, $0x1  }
0xf: {  	s14 =	sshrl.u32 s26, $0x3;
	s24 =	simm.s32 $0x80;
	[dreg:$0x5] =	wrdreg s23  }
.Ltmp0:
0x10: {  	s26 =	simm.s32 $0x180;
	[dreg:$0x6] =	wrdreg s25;
	(pc) =	sbr.rel .LBB2_1-.Ltmp0, $4  }
0x11: {  	s5 =	smul.u32 $0x300, s8;
	[dreg:$0x7] =	wrdreg s3;
	s25 =	simm.s32 $0x4  }
0x12: {  	v2 =	vlaneseq.u32;
	s3 =	simm.s32 $0x16200;
	s12 =	sadd.s32 s7, s6;
	s13 =	sadd.s32 s7, s0  }
0x13: {  	vm0 =	vmmov $0xffff;
	v1 =	vshrl.u32 v2, $0x3;
	s7 =	simm.s32 $0x17A00;
	s15 =	sadd.s32 s5, s6;
	s16 =	sadd.s32 s5, s0  }
0x14: {  	v0 =	vand.u32 $0x7, v2;
	v2 =	vor.u32 $0x8, v2;
	v1 =	vmul.u32 $0x8, v1;
	s0 =	simm.s32 $0xC200;
	s6 =	simm.s32 $0x16A00;
	s5 =	simm.s32 $0x1  }
.LBB2_5:
0x15: {  	s20 =	rddreg [dreg:$0x8]  }
0x16: {  	s18 =	rddreg [dreg:$0x7];
	s20 =	sadd.s32 $0x1, s20  }
0x17: {  	p0 =	sne.s32 s20, s18  }
.Ltmp1:
0x18: {  	_ = 	snop;
	(pc) =	sbr.rel @!p0 .LBB2_6-.Ltmp1, $1  }
0x19: {  	_ =	sdelay $0x3  }
.LBB2_1:
0x1a: {  	[dreg:$0x8] =	wrdreg s20  }
0x1b: {  	s18 =	rddreg [dreg:$0x5]  }
0x1c: {  	[tilespmem:s2], [sflag:$0x3] =	stream.linear.gather [hbm4b:s18+s2], $0x20, $0x38;
	[tilespmem:$0x18200] =	vst v63  }
0x1d: {  	_ =	swait.ge [sflag:s17], $0x20  }
0x1e: {  	[sflag:s17] =	ssyncset.done $0x0  }
0x1f: {  	s22 =	simm.s32 $0x100;
	s20 =	rddreg [dreg:$0x6];
	[sflag:s17] =	ssyncadd.s32 $0xFFFFFFE0  }
0x20: {  	[tilespmem:s22], [sflag:$0x3] =	stream.linear.gather [hbm4b:s20+s2], $0x20, $0x38;
	[tilespmem:$0x18200] =	vst v63  }
0x21: {  	_ =	swait.ge [sflag:s17], $0x20  }
0x22: {  	[sflag:s17] =	ssyncset.done $0x0  }
0x23: {  	[sflag:s17] =	ssyncadd.s32 $0xFFFFFFE0  }
0x24: {  	v3 =	vld [tilespmem:$0x0];
	_ =	sdelay $0x4  }
0x25: {  	v4 =	vshrl.u32 v3, $0x3  }
0x26: {  	v4 =	vmul.u32 $0x30, v4  }
0x27: {  	v3 =	vand.u32 $0x7, v3  }
0x28: {  	v3 =	vor.u32 v3, v4  }
0x29: {  	v4 =	vperm.xlane v3, v0;
	_ =	sdelay $0x1  }
0x2a: {  	v4 =	vadd.s32 v1, v4;
	_ =	sdelay $0x3  }
0x2b: {  	v3 =	vperm.xlane v3, v2  }
0x2c: {  	[tilespmem:s19], [sflag:$0x1] =	stream.indirect_vreg.gather [hbm4b:s1+s2], $0x80, v4, vm0, $0xb8;
	[tilespmem:$0x18200] =	vst v63  }
0x2d: {  	s23 =	simm.s32 $0xA00;
	v3 =	vadd.s32 v1, v3  }
0x2e: {  	[tilespmem:s23], [sflag:$0x1] =	stream.indirect_vreg.gather [hbm4b:s9+s2], $0x80, v4, vm0, $0xb8;
	[tilespmem:$0x18200] =	vst v63  }
0x2f: {  	s20 =	simm.s32 $0x1200  }
0x30: {  	[tilespmem:s20], [sflag:$0x1] =	stream.indirect_vreg.gather [hbm4b:s10+s2], $0x80, v4, vm0, $0xb8;
	[tilespmem:$0x18200] =	vst v63  }
0x31: {  	s22 =	simm.s32 $0x1A00  }
0x32: {  	[tilespmem:s22], [sflag:$0x1] =	stream.indirect_vreg.gather [hbm4b:s1+s2], $0x80, v3, vm0, $0xb8;
	[tilespmem:$0x18200] =	vst v63  }
0x33: {  	s23 =	simm.s32 $0x2200  }
0x34: {  	[tilespmem:s23], [sflag:$0x1] =	stream.indirect_vreg.gather [hbm4b:s9+s2], $0x80, v3, vm0, $0xb8;
	[tilespmem:$0x18200] =	vst v63  }
0x35: {  	s20 =	simm.s32 $0x2A00  }
0x36: {  	[tilespmem:s20], [sflag:$0x1] =	stream.indirect_vreg.gather [hbm4b:s10+s2], $0x80, v3, vm0, $0xb8;
	[tilespmem:$0x18200] =	vst v63  }
0x37: {  	v3 =	vld [tilespmem:$0x10];
	_ =	sdelay $0x4  }
0x38: {  	v61 =	vshrl.u32 v3, $0x3  }
0x39: {  	v4 =	vmul.u32 $0x30, v61  }
0x3a: {  	v3 =	vand.u32 $0x7, v3  }
0x3b: {  	v3 =	vor.u32 v3, v4  }
0x3c: {  	v4 =	vperm.xlane v3, v0;
	_ =	sdelay $0x1  }
0x3d: {  	v4 =	vadd.s32 v1, v4;
	_ =	sdelay $0x3  }
0x3e: {  	s22 =	simm.s32 $0x3200;
	v3 =	vperm.xlane v3, v2  }
0x3f: {  	[tilespmem:s22], [sflag:$0x1] =	stream.indirect_vreg.gather [hbm4b:s1+s2], $0x80, v4, vm0, $0xb8;
	[tilespmem:$0x18200] =	vst v63  }
0x40: {  	s23 =	simm.s32 $0x3A00;
	v3 =	vadd.s32 v1, v3  }
0x41: {  	[tilespmem:s23], [sflag:$0x1] =	stream.indirect_vreg.gather [hbm4b:s9+s2], $0x80, v4, vm0, $0xb8;
	[tilespmem:$0x18200] =	vst v63  }
0x42: {  	s20 =	simm.s32 $0x4200  }
0x43: {  	[tilespmem:s20], [sflag:$0x1] =	stream.indirect_vreg.gather [hbm4b:s10+s2], $0x80, v4, vm0, $0xb8;
	[tilespmem:$0x18200] =	vst v63  }
0x44: {  	s22 =	simm.s32 $0x4A00  }
0x45: {  	[tilespmem:s22], [sflag:$0x1] =	stream.indirect_vreg.gather [hbm4b:s1+s2], $0x80, v3, vm0, $0xb8;
	[tilespmem:$0x18200] =	vst v63  }
0x46: {  	s23 =	simm.s32 $0x5200  }
0x47: {  	[tilespmem:s23], [sflag:$0x1] =	stream.indirect_vreg.gather [hbm4b:s9+s2], $0x80, v3, vm0, $0xb8;
	[tilespmem:$0x18200] =	vst v63  }
0x48: {  	s20 =	simm.s32 $0x5A00  }
0x49: {  	[tilespmem:s20], [sflag:$0x1] =	stream.indirect_vreg.gather [hbm4b:s10+s2], $0x80, v3, vm0, $0xb8;
	[tilespmem:$0x18200] =	vst v63  }
0x4a: {  	v3 =	vld [tilespmem:$0x100];
	_ =	sdelay $0x4  }
0x4b: {  	v62 =	vshrl.u32 v3, $0x3  }
0x4c: {  	v4 =	vmul.u32 $0x30, v62  }
0x4d: {  	v3 =	vand.u32 $0x7, v3  }
0x4e: {  	v3 =	vor.u32 v3, v4  }
0x4f: {  	v4 =	vperm.xlane v3, v0;
	_ =	sdelay $0x1  }
0x50: {  	v4 =	vadd.s32 v1, v4;
	_ =	sdelay $0x3  }
0x51: {  	v3 =	vperm.xlane v3, v2  }
0x52: {  	[tilespmem:s0], [sflag:$0x1] =	stream.indirect_vreg.gather [hbm4b:s1+s2], $0x80, v4, vm0, $0xb8;
	[tilespmem:$0x18200] =	vst v63  }
0x53: {  	s22 =	simm.s32 $0xCA00;
	v3 =	vadd.s32 v1, v3  }
0x54: {  	[tilespmem:s22], [sflag:$0x1] =	stream.indirect_vreg.gather [hbm4b:s9+s2], $0x80, v4, vm0, $0xb8;
	[tilespmem:$0x18200] =	vst v63  }
0x55: {  	s23 =	simm.s32 $0xD200  }
0x56: {  	[tilespmem:s23], [sflag:$0x1] =	stream.indirect_vreg.gather [hbm4b:s10+s2], $0x80, v4, vm0, $0xb8;
	[tilespmem:$0x18200] =	vst v63  }
0x57: {  	s20 =	simm.s32 $0xDA00  }
0x58: {  	[tilespmem:s20], [sflag:$0x1] =	stream.indirect_vreg.gather [hbm4b:s1+s2], $0x80, v3, vm0, $0xb8;
	[tilespmem:$0x18200] =	vst v63  }
0x59: {  	s22 =	simm.s32 $0xE200  }
0x5a: {  	[tilespmem:s22], [sflag:$0x1] =	stream.indirect_vreg.gather [hbm4b:s9+s2], $0x80, v3, vm0, $0xb8;
	[tilespmem:$0x18200] =	vst v63  }
0x5b: {  	s23 =	simm.s32 $0xEA00  }
0x5c: {  	[tilespmem:s23], [sflag:$0x1] =	stream.indirect_vreg.gather [hbm4b:s10+s2], $0x80, v3, vm0, $0xb8;
	[tilespmem:$0x18200] =	vst v63  }
0x5d: {  	v3 =	vld [tilespmem:$0x110];
	_ =	sdelay $0x4  }
0x5e: {  	v63 =	vshrl.u32 v3, $0x3  }
0x5f: {  	v4 =	vmul.u32 $0x30, v63  }
0x60: {  	v3 =	vand.u32 $0x7, v3  }
0x61: {  	v3 =	vor.u32 v3, v4  }
0x62: {  	v4 =	vperm.xlane v3, v0;
	_ =	sdelay $0x1  }
0x63: {  	v4 =	vadd.s32 v1, v4;
	_ =	sdelay $0x3  }
0x64: {  	s20 =	simm.s32 $0xF200;
	v3 =	vperm.xlane v3, v2  }
0x65: {  	[tilespmem:s20], [sflag:$0x1] =	stream.indirect_vreg.gather [hbm4b:s1+s2], $0x80, v4, vm0, $0xb8;
	[tilespmem:$0x18200] =	vst v63  }
0x66: {  	s22 =	simm.s32 $0xFA00;
	v3 =	vadd.s32 v1, v3  }
0x67: {  	[tilespmem:s22], [sflag:$0x1] =	stream.indirect_vreg.gather [hbm4b:s9+s2], $0x80, v4, vm0, $0xb8;
	[tilespmem:$0x18200] =	vst v63  }
0x68: {  	s23 =	simm.s32 $0x10200  }
0x69: {  	[tilespmem:s23], [sflag:$0x1] =	stream.indirect_vreg.gather [hbm4b:s10+s2], $0x80, v4, vm0, $0xb8;
	[tilespmem:$0x18200] =	vst v63  }
0x6a: {  	s20 =	simm.s32 $0x10A00  }
0x6b: {  	[tilespmem:s20], [sflag:$0x1] =	stream.indirect_vreg.gather [hbm4b:s1+s2], $0x80, v3, vm0, $0xb8;
	[tilespmem:$0x18200] =	vst v63  }
.Ltmp2:
0x6c: {  	_ = 	snop;
	(pc) =	sbr.rel .LBB2_2-.Ltmp2, $4  }
0x6d: {  	s18 =	rddreg [dreg:$0x3];
	s22 =	simm.s32 $0x11200  }
0x6e: {  	[tilespmem:s22], [sflag:$0x1] =	stream.indirect_vreg.gather [hbm4b:s9+s2], $0x80, v3, vm0, $0xb8;
	[tilespmem:$0x18200] =	vst v63  }
0x6f: {  	s23 =	simm.s32 $0x11A00;
	s20 =	rddreg [dreg:$0x4];
	s22 =	simm.s32 $0x0  }
0x70: {  	[tilespmem:s23], [sflag:$0x1] =	stream.indirect_vreg.gather [hbm4b:s10+s2], $0x80, v3, vm0, $0xb8;
	[tilespmem:$0x18200] =	vst v63  }
.LBB2_4:
0x71: {  	_ =	swait.ge [sflag:s11], $0x6000  }
0x72: {  	[sflag:s11] =	ssyncset.done $0x0  }
0x73: {  	[sflag:s11] =	ssyncadd.s32 $0xFFFFA000  }
0x74: {  	_ =	swait.ge [sflag:s11], $0x6000  }
0x75: {  	[sflag:s11] =	ssyncset.done $0x0  }
0x76: {  	s23 =	sadd.s32 s22, s15;
	[sflag:s11] =	ssyncadd.s32 $0xFFFFA000  }
0x77: {  	[hbm4b:s23+s2] =	stream.linear.scatter [tilespmem:s28], [sflag:$0x4], $0x6000, $0x38;
	[tilespmem:$0x18200] =	vst v63  }
0x78: {  	s23 =	sadd.s32 s22, s16;
	s22 =	sadd.s32 $0x1800, s22;
	_ =	swait.ge [sflag:s25], $0x6000  }
0x79: {  	p0 =	sne.s32 s22, $0x18000;
	[sflag:s25] =	ssyncset.done $0x0  }
.Ltmp3:
0x7a: {  	[sflag:s25] =	ssyncadd.s32 $0xFFFFA000;
	(pc) =	sbr.rel @!p0 .LBB2_5-.Ltmp3, $4  }
0x7b: {  	[hbm4b:s23+s2] =	stream.linear.scatter [tilespmem:s21], [sflag:$0x3], $0x6000, $0x38;
	[tilespmem:$0x18200] =	vst v63  }
0x7c: {  	_ =	swait.ge [sflag:s17], $0x6000  }
0x7d: {  	[sflag:s17] =	ssyncset.done $0x0  }
0x7e: {  	s20 =	sadd.s32 $0x8, s20;
	s18 =	sadd.s32 $0x8, s18;
	[sflag:s17] =	ssyncadd.s32 $0xFFFFA000  }
.LBB2_2:
0x7f: {  	s23 =	sadd.s32 s18, s8  }
0x80: {  	[tilespmem:s24], [sflag:$0x4] =	stream.linear.gather [hbm4b:s23+s2], $0x20, $0x38;
	[tilespmem:$0x18200] =	vst v63  }
0x81: {  	_ =	swait.ge [sflag:s25], $0x20  }
0x82: {  	[sflag:s25] =	ssyncset.done $0x0  }
0x83: {  	s23 =	sadd.s32 s20, s8;
	[sflag:s25] =	ssyncadd.s32 $0xFFFFFFE0  }
0x84: {  	[tilespmem:s26], [sflag:$0x4] =	stream.linear.gather [hbm4b:s23+s2], $0x20, $0x38;
	[tilespmem:$0x18200] =	vst v63  }
0x85: {  	_ =	swait.ge [sflag:s25], $0x20  }
0x86: {  	[sflag:s25] =	ssyncset.done $0x0  }
0x87: {  	[sflag:s25] =	ssyncadd.s32 $0xFFFFFFE0  }
0x88: {  	v3 =	vld [tilespmem:$0x80];
	_ =	sdelay $0x4  }
0x89: {  	v4 =	vshrl.u32 v3, $0x3  }
0x8a: {  	v4 =	vmul.u32 $0x30, v4  }
0x8b: {  	v3 =	vand.u32 $0x7, v3  }
0x8c: {  	v3 =	vor.u32 v3, v4  }
0x8d: {  	v4 =	vperm.xlane v3, v0;
	_ =	sdelay $0x1  }
0x8e: {  	v4 =	vadd.s32 v1, v4;
	_ =	sdelay $0x3  }
0x8f: {  	v3 =	vperm.xlane v3, v2  }
0x90: {  	[tilespmem:s28], [sflag:$0x2] =	stream.indirect_vreg.gather [hbm4b:s1+s2], $0x80, v4, vm0, $0xb8;
	[tilespmem:$0x18200] =	vst v63  }
0x91: {  	s23 =	simm.s32 $0x6A00;
	v3 =	vadd.s32 v1, v3  }
0x92: {  	[tilespmem:s23], [sflag:$0x2] =	stream.indirect_vreg.gather [hbm4b:s9+s2], $0x80, v4, vm0, $0xb8;
	[tilespmem:$0x18200] =	vst v63  }
0x93: {  	s23 =	simm.s32 $0x7200  }
0x94: {  	[tilespmem:s23], [sflag:$0x2] =	stream.indirect_vreg.gather [hbm4b:s10+s2], $0x80, v4, vm0, $0xb8;
	[tilespmem:$0x18200] =	vst v63  }
0x95: {  	s23 =	simm.s32 $0x7A00  }
0x96: {  	[tilespmem:s23], [sflag:$0x2] =	stream.indirect_vreg.gather [hbm4b:s1+s2], $0x80, v3, vm0, $0xb8;
	[tilespmem:$0x18200] =	vst v63  }
0x97: {  	s23 =	simm.s32 $0x8200  }
0x98: {  	[tilespmem:s23], [sflag:$0x2] =	stream.indirect_vreg.gather [hbm4b:s9+s2], $0x80, v3, vm0, $0xb8;
	[tilespmem:$0x18200] =	vst v63  }
0x99: {  	s23 =	simm.s32 $0x8A00  }
0x9a: {  	[tilespmem:s23], [sflag:$0x2] =	stream.indirect_vreg.gather [hbm4b:s10+s2], $0x80, v3, vm0, $0xb8;
	[tilespmem:$0x18200] =	vst v63  }
0x9b: {  	v3 =	vld [tilespmem:$0x90];
	_ =	sdelay $0x4  }
0x9c: {  	v61 =	vshrl.u32 v3, $0x3  }
0x9d: {  	v4 =	vmul.u32 $0x30, v61  }
0x9e: {  	v3 =	vand.u32 $0x7, v3  }
0x9f: {  	v3 =	vor.u32 v3, v4  }
0xa0: {  	v4 =	vperm.xlane v3, v0;
	_ =	sdelay $0x1  }
0xa1: {  	v4 =	vadd.s32 v1, v4;
	_ =	sdelay $0x3  }
0xa2: {  	s23 =	simm.s32 $0x9200;
	v3 =	vperm.xlane v3, v2  }
0xa3: {  	[tilespmem:s23], [sflag:$0x2] =	stream.indirect_vreg.gather [hbm4b:s1+s2], $0x80, v4, vm0, $0xb8;
	[tilespmem:$0x18200] =	vst v63  }
0xa4: {  	v3 =	vadd.s32 v1, v3;
	s23 =	simm.s32 $0x9A00  }
0xa5: {  	[tilespmem:s23], [sflag:$0x2] =	stream.indirect_vreg.gather [hbm4b:s9+s2], $0x80, v4, vm0, $0xb8;
	[tilespmem:$0x18200] =	vst v63  }
0xa6: {  	s23 =	simm.s32 $0xA200  }
0xa7: {  	[tilespmem:s23], [sflag:$0x2] =	stream.indirect_vreg.gather [hbm4b:s10+s2], $0x80, v4, vm0, $0xb8;
	[tilespmem:$0x18200] =	vst v63  }
0xa8: {  	s23 =	simm.s32 $0xAA00  }
0xa9: {  	[tilespmem:s23], [sflag:$0x2] =	stream.indirect_vreg.gather [hbm4b:s1+s2], $0x80, v3, vm0, $0xb8;
	[tilespmem:$0x18200] =	vst v63  }
0xaa: {  	s23 =	simm.s32 $0xB200  }
0xab: {  	[tilespmem:s23], [sflag:$0x2] =	stream.indirect_vreg.gather [hbm4b:s9+s2], $0x80, v3, vm0, $0xb8;
	[tilespmem:$0x18200] =	vst v63  }
0xac: {  	s23 =	simm.s32 $0xBA00  }
0xad: {  	[tilespmem:s23], [sflag:$0x2] =	stream.indirect_vreg.gather [hbm4b:s10+s2], $0x80, v3, vm0, $0xb8;
	[tilespmem:$0x18200] =	vst v63  }
0xae: {  	v3 =	vld [tilespmem:$0x180];
	_ =	sdelay $0x4  }
0xaf: {  	v62 =	vshrl.u32 v3, $0x3  }
0xb0: {  	v4 =	vmul.u32 $0x30, v62  }
0xb1: {  	v3 =	vand.u32 $0x7, v3  }
0xb2: {  	v3 =	vor.u32 v3, v4  }
0xb3: {  	v4 =	vperm.xlane v3, v0;
	_ =	sdelay $0x1  }
0xb4: {  	v4 =	vadd.s32 v1, v4;
	_ =	sdelay $0x3  }
0xb5: {  	v3 =	vperm.xlane v3, v2  }
0xb6: {  	[tilespmem:s21], [sflag:$0x2] =	stream.indirect_vreg.gather [hbm4b:s1+s2], $0x80, v4, vm0, $0xb8;
	[tilespmem:$0x18200] =	vst v63  }
0xb7: {  	s23 =	simm.s32 $0x12A00;
	v3 =	vadd.s32 v1, v3  }
0xb8: {  	[tilespmem:s23], [sflag:$0x2] =	stream.indirect_vreg.gather [hbm4b:s9+s2], $0x80, v4, vm0, $0xb8;
	[tilespmem:$0x18200] =	vst v63  }
0xb9: {  	s23 =	simm.s32 $0x13200  }
0xba: {  	[tilespmem:s23], [sflag:$0x2] =	stream.indirect_vreg.gather [hbm4b:s10+s2], $0x80, v4, vm0, $0xb8;
	[tilespmem:$0x18200] =	vst v63  }
0xbb: {  	s23 =	simm.s32 $0x13A00  }
0xbc: {  	[tilespmem:s23], [sflag:$0x2] =	stream.indirect_vreg.gather [hbm4b:s1+s2], $0x80, v3, vm0, $0xb8;
	[tilespmem:$0x18200] =	vst v63  }
0xbd: {  	s23 =	simm.s32 $0x14200  }
0xbe: {  	[tilespmem:s23], [sflag:$0x2] =	stream.indirect_vreg.gather [hbm4b:s9+s2], $0x80, v3, vm0, $0xb8;
	[tilespmem:$0x18200] =	vst v63  }
0xbf: {  	_ = 	snop  }
0xc0: {  	[tilespmem:s29], [sflag:$0x2] =	stream.indirect_vreg.gather [hbm4b:s10+s2], $0x80, v3, vm0, $0xb8;
	[tilespmem:$0x18200] =	vst v63  }
0xc1: {  	v3 =	vld [tilespmem:$0x190];
	_ =	sdelay $0x4  }
0xc2: {  	v63 =	vshrl.u32 v3, $0x3  }
0xc3: {  	v4 =	vmul.u32 $0x30, v63  }
0xc4: {  	v3 =	vand.u32 $0x7, v3  }
0xc5: {  	v3 =	vor.u32 v3, v4  }
0xc6: {  	v4 =	vperm.xlane v3, v0;
	_ =	sdelay $0x1  }
0xc7: {  	v4 =	vadd.s32 v1, v4;
	_ =	sdelay $0x3  }
0xc8: {  	v3 =	vperm.xlane v3, v2  }
0xc9: {  	[tilespmem:s30], [sflag:$0x2] =	stream.indirect_vreg.gather [hbm4b:s1+s2], $0x80, v4, vm0, $0xb8;
	[tilespmem:$0x18200] =	vst v63  }
0xca: {  	v3 =	vadd.s32 v1, v3  }
0xcb: {  	[tilespmem:s31], [sflag:$0x2] =	stream.indirect_vreg.gather [hbm4b:s9+s2], $0x80, v4, vm0, $0xb8;
	[tilespmem:$0x18200] =	vst v63  }
0xcc: {  	_ = 	snop  }
0xcd: {  	[tilespmem:s3], [sflag:$0x2] =	stream.indirect_vreg.gather [hbm4b:s10+s2], $0x80, v4, vm0, $0xb8;
	[tilespmem:$0x18200] =	vst v63  }
0xce: {  	_ = 	snop  }
0xcf: {  	[tilespmem:s6], [sflag:$0x2] =	stream.indirect_vreg.gather [hbm4b:s1+s2], $0x80, v3, vm0, $0xb8;
	[tilespmem:$0x18200] =	vst v63  }
0xd0: {  	_ = 	snop  }
0xd1: {  	[tilespmem:s4], [sflag:$0x2] =	stream.indirect_vreg.gather [hbm4b:s9+s2], $0x80, v3, vm0, $0xb8;
	[tilespmem:$0x18200] =	vst v63  }
0xd2: {  	_ = 	snop  }
0xd3: {  	[tilespmem:s7], [sflag:$0x2] =	stream.indirect_vreg.gather [hbm4b:s10+s2], $0x80, v3, vm0, $0xb8;
	[tilespmem:$0x18200] =	vst v63  }
0xd4: {  	_ =	swait.ge [sflag:s5], $0x6000  }
0xd5: {  	[sflag:s5] =	ssyncset.done $0x0  }
0xd6: {  	[sflag:s5] =	ssyncadd.s32 $0xFFFFA000  }
0xd7: {  	_ =	swait.ge [sflag:s5], $0x6000  }
0xd8: {  	[sflag:s5] =	ssyncset.done $0x0  }
0xd9: {  	s23 =	sadd.s32 s22, s12;
	[sflag:s5] =	ssyncadd.s32 $0xFFFFA000  }
0xda: {  	[hbm4b:s23+s2] =	stream.linear.scatter [tilespmem:s19], [sflag:$0x4], $0x6000, $0x38;
	[tilespmem:$0x18200] =	vst v63  }
0xdb: {  	_ =	swait.ge [sflag:s25], $0x6000  }
0xdc: {  	p0 =	seq.s32 s22, $0x16800;
	[sflag:s25] =	ssyncset.done $0x0  }
.Ltmp4:
0xdd: {  	s23 =	sadd.s32 s22, s13;
	[sflag:s25] =	ssyncadd.s32 $0xFFFFA000;
	(pc) =	sbr.rel @p0 .LBB2_4-.Ltmp4, $4  }
0xde: {  	[hbm4b:s23+s2] =	stream.linear.scatter [tilespmem:s0], [sflag:$0x4], $0x6000, $0x38;
	[tilespmem:$0x18200] =	vst v63  }
0xdf: {  	_ =	swait.ge [sflag:s25], $0x6000  }
0xe0: {  	[sflag:s25] =	ssyncset.done $0x0  }
0xe1: {  	[sflag:s25] =	ssyncadd.s32 $0xFFFFA000  }
0xe2: {  	s23 =	sadd.s32 s18, s14  }
0xe3: {  	[tilespmem:s2], [sflag:$0x4] =	stream.linear.gather [hbm4b:s23+s2], $0x20, $0x38;
	[tilespmem:$0x18200] =	vst v63  }
0xe4: {  	_ =	swait.ge [sflag:s25], $0x20  }
0xe5: {  	[sflag:s25] =	ssyncset.done $0x0  }
0xe6: {  	s24 =	simm.s32 $0x100;
	s23 =	sadd.s32 s20, s14;
	[sflag:s25] =	ssyncadd.s32 $0xFFFFFFE0  }
0xe7: {  	[tilespmem:s24], [sflag:$0x4] =	stream.linear.gather [hbm4b:s23+s2], $0x20, $0x38;
	[tilespmem:$0x18200] =	vst v63  }
0xe8: {  	_ =	swait.ge [sflag:s25], $0x20  }
0xe9: {  	[sflag:s25] =	ssyncset.done $0x0  }
0xea: {  	[sflag:s25] =	ssyncadd.s32 $0xFFFFFFE0  }
0xeb: {  	v3 =	vld [tilespmem:$0x0];
	_ =	sdelay $0x4  }
0xec: {  	v4 =	vshrl.u32 v3, $0x3  }
0xed: {  	v4 =	vmul.u32 $0x30, v4  }
0xee: {  	v3 =	vand.u32 $0x7, v3  }
0xef: {  	v3 =	vor.u32 v3, v4  }
0xf0: {  	v4 =	vperm.xlane v3, v0;
	_ =	sdelay $0x1  }
0xf1: {  	v4 =	vadd.s32 v1, v4;
	_ =	sdelay $0x3  }
0xf2: {  	v3 =	vperm.xlane v3, v2  }
0xf3: {  	[tilespmem:s19], [sflag:$0x1] =	stream.indirect_vreg.gather [hbm4b:s1+s2], $0x80, v4, vm0, $0xb8;
	[tilespmem:$0x18200] =	vst v63  }
0xf4: {  	s23 =	simm.s32 $0xA00;
	v3 =	vadd.s32 v1, v3  }
0xf5: {  	[tilespmem:s23], [sflag:$0x1] =	stream.indirect_vreg.gather [hbm4b:s9+s2], $0x80, v4, vm0, $0xb8;
	[tilespmem:$0x18200] =	vst v63  }
0xf6: {  	s23 =	simm.s32 $0x1200  }
0xf7: {  	[tilespmem:s23], [sflag:$0x1] =	stream.indirect_vreg.gather [hbm4b:s10+s2], $0x80, v4, vm0, $0xb8;
	[tilespmem:$0x18200] =	vst v63  }
0xf8: {  	s23 =	simm.s32 $0x1A00  }
0xf9: {  	[tilespmem:s23], [sflag:$0x1] =	stream.indirect_vreg.gather [hbm4b:s1+s2], $0x80, v3, vm0, $0xb8;
	[tilespmem:$0x18200] =	vst v63  }
0xfa: {  	s23 =	simm.s32 $0x2200  }
0xfb: {  	[tilespmem:s23], [sflag:$0x1] =	stream.indirect_vreg.gather [hbm4b:s9+s2], $0x80, v3, vm0, $0xb8;
	[tilespmem:$0x18200] =	vst v63  }
0xfc: {  	s23 =	simm.s32 $0x2A00  }
0xfd: {  	[tilespmem:s23], [sflag:$0x1] =	stream.indirect_vreg.gather [hbm4b:s10+s2], $0x80, v3, vm0, $0xb8;
	[tilespmem:$0x18200] =	vst v63  }
0xfe: {  	v3 =	vld [tilespmem:$0x10];
	_ =	sdelay $0x4  }
0xff: {  	v61 =	vshrl.u32 v3, $0x3  }
0x100: {  	v4 =	vmul.u32 $0x30, v61  }
0x101: {  	v3 =	vand.u32 $0x7, v3  }
0x102: {  	v3 =	vor.u32 v3, v4  }
0x103: {  	v4 =	vperm.xlane v3, v0;
	_ =	sdelay $0x1  }
0x104: {  	v4 =	vadd.s32 v1, v4;
	_ =	sdelay $0x3  }
0x105: {  	s23 =	simm.s32 $0x3200;
	v3 =	vperm.xlane v3, v2  }
0x106: {  	[tilespmem:s23], [sflag:$0x1] =	stream.indirect_vreg.gather [hbm4b:s1+s2], $0x80, v4, vm0, $0xb8;
	[tilespmem:$0x18200] =	vst v63  }
0x107: {  	v3 =	vadd.s32 v1, v3;
	s23 =	simm.s32 $0x3A00  }
0x108: {  	[tilespmem:s23], [sflag:$0x1] =	stream.indirect_vreg.gather [hbm4b:s9+s2], $0x80, v4, vm0, $0xb8;
	[tilespmem:$0x18200] =	vst v63  }
0x109: {  	s23 =	simm.s32 $0x4200  }
0x10a: {  	[tilespmem:s23], [sflag:$0x1] =	stream.indirect_vreg.gather [hbm4b:s10+s2], $0x80, v4, vm0, $0xb8;
	[tilespmem:$0x18200] =	vst v63  }
0x10b: {  	s23 =	simm.s32 $0x4A00  }
0x10c: {  	[tilespmem:s23], [sflag:$0x1] =	stream.indirect_vreg.gather [hbm4b:s1+s2], $0x80, v3, vm0, $0xb8;
	[tilespmem:$0x18200] =	vst v63  }
0x10d: {  	s23 =	simm.s32 $0x5200  }
0x10e: {  	[tilespmem:s23], [sflag:$0x1] =	stream.indirect_vreg.gather [hbm4b:s9+s2], $0x80, v3, vm0, $0xb8;
	[tilespmem:$0x18200] =	vst v63  }
0x10f: {  	s23 =	simm.s32 $0x5A00  }
0x110: {  	[tilespmem:s23], [sflag:$0x1] =	stream.indirect_vreg.gather [hbm4b:s10+s2], $0x80, v3, vm0, $0xb8;
	[tilespmem:$0x18200] =	vst v63  }
0x111: {  	v3 =	vld [tilespmem:$0x100];
	_ =	sdelay $0x4  }
0x112: {  	v62 =	vshrl.u32 v3, $0x3  }
0x113: {  	v4 =	vmul.u32 $0x30, v62  }
0x114: {  	v3 =	vand.u32 $0x7, v3  }
0x115: {  	v3 =	vor.u32 v3, v4  }
0x116: {  	v4 =	vperm.xlane v3, v0;
	_ =	sdelay $0x1  }
0x117: {  	v4 =	vadd.s32 v1, v4;
	_ =	sdelay $0x3  }
0x118: {  	v3 =	vperm.xlane v3, v2  }
0x119: {  	[tilespmem:s0], [sflag:$0x1] =	stream.indirect_vreg.gather [hbm4b:s1+s2], $0x80, v4, vm0, $0xb8;
	[tilespmem:$0x18200] =	vst v63  }
0x11a: {  	s23 =	simm.s32 $0xCA00;
	v3 =	vadd.s32 v1, v3  }
0x11b: {  	[tilespmem:s23], [sflag:$0x1] =	stream.indirect_vreg.gather [hbm4b:s9+s2], $0x80, v4, vm0, $0xb8;
	[tilespmem:$0x18200] =	vst v63  }
0x11c: {  	s23 =	simm.s32 $0xD200  }
0x11d: {  	[tilespmem:s23], [sflag:$0x1] =	stream.indirect_vreg.gather [hbm4b:s10+s2], $0x80, v4, vm0, $0xb8;
	[tilespmem:$0x18200] =	vst v63  }
0x11e: {  	s23 =	simm.s32 $0xDA00  }
0x11f: {  	[tilespmem:s23], [sflag:$0x1] =	stream.indirect_vreg.gather [hbm4b:s1+s2], $0x80, v3, vm0, $0xb8;
	[tilespmem:$0x18200] =	vst v63  }
0x120: {  	s23 =	simm.s32 $0xE200  }
0x121: {  	[tilespmem:s23], [sflag:$0x1] =	stream.indirect_vreg.gather [hbm4b:s9+s2], $0x80, v3, vm0, $0xb8;
	[tilespmem:$0x18200] =	vst v63  }
0x122: {  	s23 =	simm.s32 $0xEA00  }
0x123: {  	[tilespmem:s23], [sflag:$0x1] =	stream.indirect_vreg.gather [hbm4b:s10+s2], $0x80, v3, vm0, $0xb8;
	[tilespmem:$0x18200] =	vst v63  }
0x124: {  	v3 =	vld [tilespmem:$0x110];
	_ =	sdelay $0x4  }
0x125: {  	v63 =	vshrl.u32 v3, $0x3  }
0x126: {  	v4 =	vmul.u32 $0x30, v63  }
0x127: {  	v3 =	vand.u32 $0x7, v3  }
0x128: {  	v3 =	vor.u32 v3, v4  }
0x129: {  	v4 =	vperm.xlane v3, v0;
	_ =	sdelay $0x1  }
0x12a: {  	v4 =	vadd.s32 v1, v4;
	_ =	sdelay $0x3  }
0x12b: {  	s23 =	simm.s32 $0xF200;
	v3 =	vperm.xlane v3, v2  }
0x12c: {  	[tilespmem:s23], [sflag:$0x1] =	stream.indirect_vreg.gather [hbm4b:s1+s2], $0x80, v4, vm0, $0xb8;
	[tilespmem:$0x18200] =	vst v63  }
0x12d: {  	v3 =	vadd.s32 v1, v3;
	s23 =	simm.s32 $0xFA00  }
0x12e: {  	[tilespmem:s23], [sflag:$0x1] =	stream.indirect_vreg.gather [hbm4b:s9+s2], $0x80, v4, vm0, $0xb8;
	[tilespmem:$0x18200] =	vst v63  }
0x12f: {  	s23 =	simm.s32 $0x10200  }
0x130: {  	[tilespmem:s23], [sflag:$0x1] =	stream.indirect_vreg.gather [hbm4b:s10+s2], $0x80, v4, vm0, $0xb8;
	[tilespmem:$0x18200] =	vst v63  }
0x131: {  	s23 =	simm.s32 $0x10A00  }
0x132: {  	[tilespmem:s23], [sflag:$0x1] =	stream.indirect_vreg.gather [hbm4b:s1+s2], $0x80, v3, vm0, $0xb8;
	[tilespmem:$0x18200] =	vst v63  }
.Ltmp5:
0x133: {  	_ = 	snop;
	(pc) =	sbr.rel .LBB2_4-.Ltmp5, $4  }
0x134: {  	s23 =	simm.s32 $0x11200  }
0x135: {  	[tilespmem:s23], [sflag:$0x1] =	stream.indirect_vreg.gather [hbm4b:s9+s2], $0x80, v3, vm0, $0xb8;
	[tilespmem:$0x18200] =	vst v63  }
0x136: {  	s24 =	simm.s32 $0x80;
	s23 =	simm.s32 $0x11A00  }
0x137: {  	[tilespmem:s23], [sflag:$0x1] =	stream.indirect_vreg.gather [hbm4b:s10+s2], $0x80, v3, vm0, $0xb8;
	[tilespmem:$0x18200] =	vst v63  }
.LBB2_6:
0x138: {  	_ =	sfence.sel $0x180000  }
0x139: {  	[bflag:$0x0] =	sbarrier.arrive $0xFFFF  }
0x13a: {  	_ =	strace $0x90000053  }
0x13b: {  	s0 =	stileid.u32;
	[bflag:$0x2] =	sbarrier.arrive $0xFFFF  }
0x13c: {  	p0 =	sne.s32 s0, $0x0;
	s0 =	rddreg [dreg:$0x2]  }
0x13d: {  	s0 =	sadd.s32 @!p0 $0x100000, s0  }
0x13e: {  	[sflag:s0] =	ssyncadd.tile.s32 @!p0 $0x1;
	_ =	shalt  }
.Lfunc_end2:
_tile_overlayer_lowered:
.L_overlay_start_2:
0x13f: {  	(tag) =	ssettag $0x2  }
0x140: {  	s0 =	rddreg [dreg:$0x0];
	s2 =	stileid.u32  }
0x141: {  	s1 =	rddreg [dreg:$0x1];
	p0 =	sne.s32 s2, $0x0  }
0x142: {  	s3 =	rddreg [dreg:$0x2];
	[bflag:$0x3] =	sbarrier.arrive $0xFFFF;
	s2 =	simm.s32 @!p0 $0x1C03  }
0x143: {  	[timem:s3], [sflag:s2] =	dma.local @!p0 [hbm:s0], s1  }
0x144: {  	s0 =	simm.s32 @!p0 $0x3  }
0x145: {  	_ =	swait.ge @!p0 [sflag:s0], s1  }
0x146: {  	s1 =	ssub.s32 @!p0 $0x0, s1;
	[sflag:s0] =	ssyncset.done @!p0 $0x0  }
0x147: {  	[sflag:s0] =	ssyncadd.s32 @!p0 s1  }
0x148: {  	[bflag:$0x3] =	sbarrier.arrive $0xFFFF  }
0x149: {  	_ =	shalt  }

// kernel: kernel.7.cloned.1.call-start
scs
__scs_entry_jumppad:
0x0: {  	(pc) =	sbr.rel $0x88, $3  }
0x1: {  	(tag) =	ssettag $0x0;
	lr =	simm.s32 $0x1  }
0x2: {  	[smem:$0x3F9C] =	sst lr;
	_ =	strace $0xD0000000  }
0x3: {  	_ = 	snop  }
0x4: {  	_ = 	snop  }
0x5: {  	_ = 	snop  }
0x6: {  	_ = 	snop  }
0x7: {  	_ = 	snop  }
__scs_overlays_trampoline_lowered:
0x8: {  	[smem:$0x3FAB] =	sst s0  }
0x9: {  	[smem:$0x3FAC] =	sst s1  }
0xa: {  	[smem:$0x3FAD] =	sst s2  }
0xb: {  	[smem:$0x3FAE] =	sst s3  }
0xc: {  	[smem:$0x3FAF] =	sst s4  }
0xd: {  	[smem:$0x3FB0] =	sst s5  }
0xe: {  	[smem:$0x3FB1] =	sst s6  }
0xf: {  	[smem:$0x3FB2] =	sst s7  }
0x10: {  	[smem:$0x3FB3] =	sst s8  }
0x11: {  	[smem:$0x3FB4] =	sst s9;
	s0 =	simm.s32 @!p0 $0x0  }
0x12: {  	s1 =	sld [smem:$0x3F9A];
	s0 =	simm.s32 @p0 $0x1  }
0x13: {  	[smem:$0x3FB5] =	sst s0;
	s0 =	simm.s32 @!p1 $0x0  }
0x14: {  	s2 =	sld [smem:$0x3F99];
	s0 =	simm.s32 @p1 $0x1  }
0x15: {  	[smem:$0x3FB6] =	sst s0;
	s0 =	simm.s32 @!p2 $0x0  }
0x16: {  	s3 =	sld [smem:$0x3FDB];
	s0 =	simm.s32 @p2 $0x1  }
0x17: {  	s4 =	simm.s32 $0x1BF5;
	[smem:$0x3FB8] =	sst s0  }
0x18: {  	s0 =	sld [smem:$0x3F9B];
	_ =	swait.ge [sflag:s4], $0x0  }
0x19: {  	s7 =	sld [smem:$0x3F9C]  }
0x1a: {  	s8 =	sadd.s32 $0xFFFFE003, lr  }
0x1b: {  	s9 =	sadd.s32 $0xFFFFFEF7, lr;
	s5 =	simm.s32 $0xFFFFFFFF;
	p2 =	slt.u32 s8, $0xFFFFF086  }
0x1c: {  	p1 =	slt.u32 s9, $0xF7A;
	s5 =	simm.s32 @!p2 $0x0  }
0x1d: {  	s5 =	simm.s32 @p1 $0x1;
	p0 =	seq.s32 s7, s2  }
0x1e: {  	s7 =	smul.u32 @!p0 $0xF7A, s2;
	p2 =	seq.s32 @!p0 s5, $0x0  }
0x1f: {  	s9 =	smul.u32 $0xF7A, s1;
	s8 =	simm.s32 @!p0 $0x1BF5;
	p2 =	por !p2, p0  }
0x20: {  	[sflag:s8] =	ssyncset.s32 @!p0 $0xFFFFF086;
	s6 =	sadd.s32 @!p0 s3, s7;
	s7 =	simm.s32 @!p0 $0x108  }
0x21: {  	s3 =	sadd.s32 s3, s9;
	s6 =	sadd.s32 @!p0 $0x88, s6;
	s7 =	simm.s32 @p2 $0x1082  }
0x22: {  	[simem:s7], [sflag:s8] =	dma.local @!p0 [hbm:s6], $0xF7A  }
0x23: {  	s9 =	sor.u32 $0xD0000000, s2;
	s6 =	simm.s32 $0x108;
	_ =	swait.ge @!p0 [sflag:s8], $0x0  }
0x24: {  	s3 =	sadd.s32 $0x88, s3;
	s6 =	simm.s32 @!p1 $0x1082;
	[sflag:s4] =	ssyncset.s32 $0xFFFFF086  }
0x25: {  	[simem:s6], [sflag:s4] =	dma.local [hbm:s3], $0xF7A  }
0x26: {  	[smem:$0x3F9C] =	sst s1;
	(tag) =	ssettag s2;
	_ =	strace s9  }
0x27: {  	s1 =	sld [smem:$0x3FAC]  }
0x28: {  	s2 =	sld [smem:$0x3FAD]  }
0x29: {  	s4 =	sld [smem:$0x3FAF]  }
0x2a: {  	p0 =	seq.s32 s5, $0x0;
	s5 =	sld [smem:$0x3FB0]  }
0x2b: {  	s6 =	sld [smem:$0x3FB1]  }
0x2c: {  	s7 =	sld [smem:$0x3FB2]  }
0x2d: {  	s3 =	simm.s32 $0x108;
	s8 =	sld [smem:$0x3FB3]  }
0x2e: {  	s3 =	simm.s32 @!p0 $0x1082;
	s9 =	sld [smem:$0x3FB4]  }
0x2f: {  	lr =	sadd.s32 s0, s3;
	s0 =	sld [smem:$0x3FAB]  }
0x30: {  	s3 =	sld [smem:$0x3FAE]  }
0x31: {  	[smem:$0x3FB7] =	sst s10  }
0x32: {  	s10 =	sld [smem:$0x3FB5];
	_ =	sdelay $0x3  }
0x33: {  	p0 =	seq.s32 s10, $0x1;
	s10 =	sld [smem:$0x3FB7];
	_ =	sdelay $0x3  }
0x34: {  	[smem:$0x3FB7] =	sst s10  }
0x35: {  	s10 =	sld [smem:$0x3FB6];
	_ =	sdelay $0x3  }
0x36: {  	p1 =	seq.s32 s10, $0x1;
	s10 =	sld [smem:$0x3FB7];
	_ =	sdelay $0x3  }
0x37: {  	[smem:$0x3FB7] =	sst s10  }
0x38: {  	s10 =	sld [smem:$0x3FB8]  }
0x39: {  	_ = 	snop;
	(pc) =	sbr.ind lr, $3  }
0x3a: {  	_ = 	snop  }
0x3b: {  	_ = 	snop  }
0x3c: {  	p2 =	seq.s32 s10, $0x1;
	s10 =	sld [smem:$0x3FB7]  }
0x3d: {  	_ =	shalt  }
0x3e: {  	_ =	shalt  }
0x3f: {  	_ =	shalt  }
0x40: {  	_ =	shalt  }
0x41: {  	_ =	shalt  }
0x42: {  	_ =	shalt  }
0x43: {  	_ =	shalt  }
0x44: {  	_ =	shalt  }
0x45: {  	_ =	shalt  }
0x46: {  	_ =	shalt  }
0x47: {  	_ =	shalt  }
0x48: {  	_ =	shalt  }
0x49: {  	_ =	shalt  }
0x4a: {  	_ =	shalt  }
0x4b: {  	_ =	shalt  }
0x4c: {  	_ =	shalt  }
0x4d: {  	_ =	shalt  }
0x4e: {  	_ =	shalt  }
0x4f: {  	_ =	shalt  }
0x50: {  	_ =	shalt  }
0x51: {  	_ =	shalt  }
0x52: {  	_ =	shalt  }
0x53: {  	_ =	shalt  }
0x54: {  	_ =	shalt  }
0x55: {  	_ =	shalt  }
0x56: {  	_ =	shalt  }
0x57: {  	_ =	shalt  }
0x58: {  	_ =	shalt  }
0x59: {  	_ =	shalt  }
0x5a: {  	_ =	shalt  }
0x5b: {  	_ =	shalt  }
0x5c: {  	_ =	shalt  }
0x5d: {  	_ =	shalt  }
0x5e: {  	_ =	shalt  }
0x5f: {  	_ =	shalt  }
0x60: {  	_ =	shalt  }
0x61: {  	_ =	shalt  }
0x62: {  	_ =	shalt  }
0x63: {  	_ =	shalt  }
0x64: {  	_ =	shalt  }
0x65: {  	_ =	shalt  }
0x66: {  	_ =	shalt  }
0x67: {  	_ =	shalt  }
0x68: {  	_ =	shalt  }
0x69: {  	_ =	shalt  }
0x6a: {  	_ =	shalt  }
0x6b: {  	_ =	shalt  }
0x6c: {  	_ =	shalt  }
0x6d: {  	_ =	shalt  }
0x6e: {  	_ =	shalt  }
0x6f: {  	_ =	shalt  }
0x70: {  	_ =	shalt  }
0x71: {  	_ =	shalt  }
0x72: {  	_ =	shalt  }
0x73: {  	_ =	shalt  }
0x74: {  	_ =	shalt  }
0x75: {  	_ =	shalt  }
0x76: {  	_ =	shalt  }
0x77: {  	_ =	shalt  }
0x78: {  	_ =	shalt  }
0x79: {  	_ =	shalt  }
0x7a: {  	_ =	shalt  }
0x7b: {  	_ =	shalt  }
0x7c: {  	_ =	shalt  }
0x7d: {  	_ =	shalt  }
0x7e: {  	_ =	shalt  }
0x7f: {  	_ =	shalt  }
0x80: {  	_ =	shalt  }
0x81: {  	_ =	shalt  }
0x82: {  	_ =	shalt  }
0x83: {  	_ =	shalt  }
0x84: {  	_ =	shalt  }
0x85: {  	_ =	shalt  }
0x86: {  	_ =	shalt  }
0x87: {  	_ =	shalt  }
.Lfunc_end0:
.L_simem_size_0:
called_computation.3_lowered:
.L_overlay_start_0:
0x88: {  	s2 =	sld [smem:$0x3FD9]  }
0x89: {  	s3 =	sld [smem:$0x3FFE];
	_ =	sdelay $0x1  }
0x8a: {  	s1 =	srdreg.scid  }
0x8b: {  	s0 =	sand.u32 $0x1, s1  }
0x8c: {  	s17 =	sshll.u32 s0, $0xA;
	s2 =	sadd.s32 s3, s2  }
0x8d: {  	s2 =	sadd.s32 s2, s17  }
0x8e: {  	[smem:$0x3FC3] =	sst s2  }
0x8f: {  	_ = 	snop  }
0x90: {  	s18 =	sld [smem:$0x3FC9];
	(tm) =	ssettm $0x1  }
0x91: {  	s19 =	sld [smem:$0x3FFB];
	_ =	sdelay $0x3  }
0x92: {  	_ =	strace s19  }
0x93: {  	s2 =	sld [smem:$0x3FFC];
	_ =	sdelay $0x3  }
0x94: {  	_ =	strace s2  }
0x95: {  	s2 =	sld [smem:$0x3FFD];
	_ =	sdelay $0x3  }
0x96: {  	_ =	strace s2  }
0x97: {  	_ =	strace $0x8FFFFFFF  }
0x98: {  	s20 =	sld [smem:$0x3FDB];
	_ =	sdelay $0x1  }
0x99: {  	s4 =	simm.s32 $_scs_section_size  }
0x9a: {  	s5 =	simm.s32 $_size__tile_overlayer_lowered;
	s6 =	simm.s32 $_tile_overlayer_lowered  }
0x9b: {  	s7 =	simm.s32 $0x1BFF;
	s21 =	sshll.u32 s6, $0x1;
	s4 =	sadd.s32 s4, s20  }
0x9c: {  	s22 =	simm.s32 $0x0;
	s5 =	sshll.u32 s5, $0x1;
	s6 =	sadd.s32 s21, s4  }
0x9d: {  	[timem:s22], [sflag:s7] =	dma.local [hbm:s6], s5  }
0x9e: {  	_ =	swait.ge [sflag:s7], s5  }
0x9f: {  	s5 =	ssub.s32 $0x0, s5;
	[sflag:s7] =	ssyncset.done $0x0  }
0xa0: {  	[sflag:s7] =	ssyncadd.s32 s5;
	_ =	sdelay $0x1  }
0xa1: {  	s23 =	simm.s32 $0x1B8B  }
0xa2: {  	_ =	swait.ge [sflag:s23], $0x1  }
0xa3: {  	[sflag:s23] =	ssyncset.done $0x0  }
0xa4: {  	[sflag:s23] =	ssyncadd.s32 $0xFFFFFFFF  }
0xa5: {  	s5 =	sld [smem:$0x0]  }
0xa6: {  	s6 =	sand.u32 $0xFFFFFFFE, s1  }
0xa7: {  	p0 =	sne.s32 s1, s6  }
0xa8: {  	s6 =	sshll.u32 @p0 s6, $0xE  }
0xa9: {  	s6 =	sadd.s32 @p0 $0x11B8D, s6;
	s7 =	sshll.u32 @p0 s5, $0x11  }
0xaa: {  	s6 =	sor.u32 @p0 s7, s6  }
0xab: {  	[sflag:s6] =	ssyncadd.remote.s32 @p0 $0x1;
	_ =	sdelay $0x1  }
0xac: {  	s6 =	simm.s32 @p0 $0x1B8D  }
0xad: {  	_ =	swait.eq @p0 [sflag:s6], $0x1  }
0xae: {  	[sflag:s6] =	ssyncadd.s32 @p0 $0xFFFFFFFF  }
0xaf: {  	s7 =	sshll.u32 @!p0 s1, $0xE  }
0xb0: {  	s7 =	sor.u32 @!p0 $0x4000, s7;
	s6 =	simm.s32 @!p0 $0x1B8D  }
0xb1: {  	s5 =	sshll.u32 @!p0 s5, $0x11;
	s7 =	sadd.s32 @!p0 $0x11B8D, s7;
	_ =	swait.eq @!p0 [sflag:s6], $0x1  }
0xb2: {  	s5 =	sor.u32 @!p0 s5, s7;
	[sflag:s6] =	ssyncadd.s32 @!p0 $0xFFFFFFFF  }
0xb3: {  	s25 =	simm.s32 $0x1B8E;
	s24 =	sld [smem:$0x3FFE];
	[sflag:s5] =	ssyncadd.remote.s32 @!p0 $0x1  }
0xb4: {  	s26 =	simm.s32 $execute0_lowered;
	[smem:$0x3FD2] =	sst s25  }
0xb5: {  	s6 =	sshll.u32 s26, $0x1;
	_ =	strace $0x8000004F;
	[dreg:$0x1] =	wrdreg $0xFFFFFFFF  }
0xb6: {  	s28 =	simm.s32 $_size_execute0_lowered;
	s4 =	sadd.s32 s4, s6;
	[dreg:$0x0] =	wrdreg $0x0  }
0xb7: {  	s6 =	sshll.u32 s28, $0x1;
	[dreg:$0x2] =	wrdreg s4  }
0xb8: {  	[dreg:$0x3] =	wrdreg s6  }
0xb9: {  	[dreg:$0x4] =	wrdreg $0xC0  }
0xba: {  	_ =	task [dreg:s22], $0x5FFFF  }
0xbb: {  	[dreg:$0x1] =	wrdreg $0xFFFFFFFF  }
0xbc: {  	[dreg:$0x0] =	wrdreg $0x60  }
0xbd: {  	[dreg:$0x2] =	wrdreg s18  }
0xbe: {  	[dreg:$0x3] =	wrdreg s24  }
0xbf: {  	[dreg:$0x4] =	wrdreg $0xB  }
0xc0: {  	_ =	task.clear_ibuf [dreg:s22], $0x5FFFF;
	_ =	strace $0x9000004F  }
0xc1: {  	s29 =	simm.s32 $0xB;
	_ =	strace $0x80000051  }
0xc2: {  	_ =	swait.ge [sflag:s29], $0x1  }
0xc3: {  	[sflag:s29] =	ssyncadd.s32 $0xFFFFFFFF  }
0xc4: {  	_ =	strace $0x90000051  }
0xc5: {  	_ =	sfence  }
0xc6: {  	s30 =	sld [smem:$0x0];
	_ =	sdelay $0x2  }
0xc7: {  	s31 =	sshll.u32 s1, $0xD;
	s1 =	sshrl.u32 s1, $0x2  }
0xc8: {  	s4 =	sand.u32 $0x4000, s31;
	s1 =	sadd.s32 s1, s30  }
0xc9: {  	s0 =	sor.u32 s4, s0;
	s1 =	sshll.u32 s1, $0x11  }
0xca: {  	s0 =	sor.u32 s1, s0  }
0xcb: {  	s0 =	sadd.s32 $0x8F2B, s0  }
0xcc: {  	[sflag:s0] =	ssyncadd.remote.s32 $0x1  }
0xcd: {  	_ =	sfence.sel $0xFFFF  }
0xce: {  	[dreg:$0x0] =	wrdreg $0xFFFFFFFF;
	(pc) =	sbr.abs _section_cstart, $3  }
0xcf: {  	[dreg:$0x1] =	wrdreg $0xFFFFFFFF  }
0xd0: {  	_ =	task.clear_ibuf [dreg:s22], $0x2FFFF;
	_ =	strace $0x9FFFFFFF  }
0xd1: {  	(tm) =	ssettm $0x7FFFFFFF  }
tec
execute0_lowered:
.L_overlay_start_1:
0x0: {  	(tag) =	ssettag $0x1  }
0x1: {  	s1 =	rddreg [dreg:$0x0]  }
0x2: {  	s0 =	rddreg [dreg:$0x1];
	s3 =	simm.s32 $0x0;
	s2 =	srdreg.scid  }
0x3: {  	s5 =	stileid.u32;
	s23 =	simm.s32 $0x880;
	s24 =	simm.s32 $0x1080  }
0x4: {  	s25 =	simm.s32 $0x1880;
	s26 =	simm.s32 $0x2080;
	s9 =	simm.s32 $0x80  }
0x5: {  	s10 =	simm.s32 $0x2880;
	s11 =	simm.s32 $0x3080;
	s12 =	simm.s32 $0x3880  }
0x6: {  	s13 =	simm.s32 $0x4080;
	s14 =	simm.s32 $0x4880;
	s15 =	simm.s32 $0x5080  }
0x7: {  	s16 =	simm.s32 $0x5880;
	s17 =	simm.s32 $0x6080;
	s18 =	simm.s32 $0x6880  }
0x8: {  	s19 =	simm.s32 $0x7080;
	s20 =	simm.s32 $0x7880;
	s21 =	simm.s32 $0x8080  }
0x9: {  	s28 =	simm.s32 $0xB080;
	s29 =	simm.s32 $0xB880;
	s30 =	simm.s32 $0x1  }
0xa: {  	s31 =	simm.s32 $0x0;
	[smem:$0x7FF] =	sst s3;
	s2 =	sand.u32 $0x1, s2  }
0xb: {  	s4 =	sshll.u32 s5, $0x6;
	_ =	strace $0x80000050;
	[dreg:$0x4] =	wrdreg s23  }
0xc: {  	s5 =	smul.u32 $0xC000, s5;
	s6 =	ssub.s32 $0x2, s2;
	[dreg:$0x5] =	wrdreg s24  }
0xd: {  	s4 =	sadd.s32 s4, s0;
	s8 =	sshll.u32 s2, $0x5;
	[dreg:$0x6] =	wrdreg s25  }
0xe: {  	s2 =	smul.u32 $0x6000, s2;
	[dreg:$0x7] =	wrdreg s26;
	s23 =	simm.s32 $0x9080  }
0xf: {  	s24 =	simm.s32 $0x9880;
	s25 =	simm.s32 $0xA080;
	s26 =	simm.s32 $0xA880  }
0x10: {  	s7 =	sshrl.u32 s6, $0x1;
	s0 =	sadd.s32 s5, s0;
	s22 =	sadd.s32 s8, s4  }
0x11: {  	s4 =	sadd.s32 $0x100, s1;
	s6 =	ssub.s32 s6, s7;
	s7 =	sadd.s32 $0x2600, s22  }
0x12: {  	v2 =	vlaneseq.u32;
	s0 =	sadd.s32 s2, s0;
	[dreg:$0x3] =	wrdreg s7;
	s6 =	smax.u32 s6, $0x1  }
0x13: {  	vm0 =	vmmov $0xffff;
	v1 =	vshrl.u32 v2, $0x3;
	s5 =	sadd.s32 $0x200, s1;
	s0 =	sadd.s32 $0x6E00, s0;
	[dreg:$0x8] =	wrdreg s6  }
0x14: {  	v0 =	vand.u32 $0x7, v2;
	v2 =	vor.u32 $0x8, v2;
	v1 =	vmul.u32 $0x8, v1;
	s8 =	simm.s32 $0x2;
	s22 =	simm.s32 $0x8880;
	[dreg:$0x9] =	wrdreg s0  }
.LBB2_1:
0x15: {  	s7 =	rddreg [dreg:$0x9];
	s2 =	simm.s32 $0x0  }
.LBB2_2:
0x16: {  	s6 =	rddreg [dreg:$0x3]  }
0x17: {  	s6 =	sadd.s32 s2, s6  }
0x18: {  	[tilespmem:s3], [sflag:$0x2] =	stream.linear.gather [hbm4b:s6+s3], $0x40, $0x38;
	[tilespmem:$0xC080] =	vst v63  }
0x19: {  	_ =	swait.ge [sflag:s8], $0x40  }
0x1a: {  	[sflag:s8] =	ssyncset.done $0x0  }
0x1b: {  	[sflag:s8] =	ssyncadd.s32 $0xFFFFFFC0  }
0x1c: {  	v3 =	vld [tilespmem:$0x0];
	_ =	sdelay $0x4  }
0x1d: {  	v4 =	vshrl.u32 v3, $0x3  }
0x1e: {  	v4 =	vmul.u32 $0x30, v4  }
0x1f: {  	v3 =	vand.u32 $0x7, v3  }
0x20: {  	v3 =	vor.u32 v3, v4  }
0x21: {  	v4 =	vperm.xlane v3, v0;
	_ =	sdelay $0x1  }
0x22: {  	v4 =	vadd.s32 v1, v4;
	_ =	sdelay $0x3  }
0x23: {  	v3 =	vperm.xlane v3, v2  }
0x24: {  	[tilespmem:s9], [sflag:$0x1] =	stream.indirect_vreg.gather [hbm4b:s1+s3], $0x80, v4, vm0, $0xb8;
	[tilespmem:$0xC080] =	vst v63  }
0x25: {  	s6 =	rddreg [dreg:$0x4];
	v3 =	vadd.s32 v1, v3  }
0x26: {  	[tilespmem:s6], [sflag:$0x1] =	stream.indirect_vreg.gather [hbm4b:s4+s3], $0x80, v4, vm0, $0xb8;
	[tilespmem:$0xC080] =	vst v63  }
0x27: {  	s0 =	rddreg [dreg:$0x5]  }
0x28: {  	[tilespmem:s0], [sflag:$0x1] =	stream.indirect_vreg.gather [hbm4b:s5+s3], $0x80, v4, vm0, $0xb8;
	[tilespmem:$0xC080] =	vst v63  }
0x29: {  	s6 =	rddreg [dreg:$0x6]  }
0x2a: {  	[tilespmem:s6], [sflag:$0x1] =	stream.indirect_vreg.gather [hbm4b:s1+s3], $0x80, v3, vm0, $0xb8;
	[tilespmem:$0xC080] =	vst v63  }
0x2b: {  	s0 =	rddreg [dreg:$0x7]  }
0x2c: {  	[tilespmem:s0], [sflag:$0x1] =	stream.indirect_vreg.gather [hbm4b:s4+s3], $0x80, v3, vm0, $0xb8;
	[tilespmem:$0xC080] =	vst v63  }
0x2d: {  	_ = 	snop  }
0x2e: {  	[tilespmem:s10], [sflag:$0x1] =	stream.indirect_vreg.gather [hbm4b:s5+s3], $0x80, v3, vm0, $0xb8;
	[tilespmem:$0xC080] =	vst v63  }
0x2f: {  	v3 =	vld [tilespmem:$0x10];
	_ =	sdelay $0x4  }
0x30: {  	v61 =	vshrl.u32 v3, $0x3  }
0x31: {  	v4 =	vmul.u32 $0x30, v61  }
0x32: {  	v3 =	vand.u32 $0x7, v3  }
0x33: {  	v3 =	vor.u32 v3, v4  }
0x34: {  	v4 =	vperm.xlane v3, v0;
	_ =	sdelay $0x1  }
0x35: {  	v4 =	vadd.s32 v1, v4;
	_ =	sdelay $0x3  }
0x36: {  	v3 =	vperm.xlane v3, v2  }
0x37: {  	[tilespmem:s11], [sflag:$0x1] =	stream.indirect_vreg.gather [hbm4b:s1+s3], $0x80, v4, vm0, $0xb8;
	[tilespmem:$0xC080] =	vst v63  }
0x38: {  	v3 =	vadd.s32 v1, v3  }
0x39: {  	[tilespmem:s12], [sflag:$0x1] =	stream.indirect_vreg.gather [hbm4b:s4+s3], $0x80, v4, vm0, $0xb8;
	[tilespmem:$0xC080] =	vst v63  }
0x3a: {  	_ = 	snop  }
0x3b: {  	[tilespmem:s13], [sflag:$0x1] =	stream.indirect_vreg.gather [hbm4b:s5+s3], $0x80, v4, vm0, $0xb8;
	[tilespmem:$0xC080] =	vst v63  }
0x3c: {  	_ = 	snop  }
0x3d: {  	[tilespmem:s14], [sflag:$0x1] =	stream.indirect_vreg.gather [hbm4b:s1+s3], $0x80, v3, vm0, $0xb8;
	[tilespmem:$0xC080] =	vst v63  }
0x3e: {  	_ = 	snop  }
0x3f: {  	[tilespmem:s15], [sflag:$0x1] =	stream.indirect_vreg.gather [hbm4b:s4+s3], $0x80, v3, vm0, $0xb8;
	[tilespmem:$0xC080] =	vst v63  }
0x40: {  	_ = 	snop  }
0x41: {  	[tilespmem:s16], [sflag:$0x1] =	stream.indirect_vreg.gather [hbm4b:s5+s3], $0x80, v3, vm0, $0xb8;
	[tilespmem:$0xC080] =	vst v63  }
0x42: {  	v3 =	vld [tilespmem:$0x20];
	_ =	sdelay $0x4  }
0x43: {  	v62 =	vshrl.u32 v3, $0x3  }
0x44: {  	v4 =	vmul.u32 $0x30, v62  }
0x45: {  	v3 =	vand.u32 $0x7, v3  }
0x46: {  	v3 =	vor.u32 v3, v4  }
0x47: {  	v4 =	vperm.xlane v3, v0;
	_ =	sdelay $0x1  }
0x48: {  	v4 =	vadd.s32 v1, v4;
	_ =	sdelay $0x3  }
0x49: {  	v3 =	vperm.xlane v3, v2  }
0x4a: {  	[tilespmem:s17], [sflag:$0x1] =	stream.indirect_vreg.gather [hbm4b:s1+s3], $0x80, v4, vm0, $0xb8;
	[tilespmem:$0xC080] =	vst v63  }
0x4b: {  	v3 =	vadd.s32 v1, v3  }
0x4c: {  	[tilespmem:s18], [sflag:$0x1] =	stream.indirect_vreg.gather [hbm4b:s4+s3], $0x80, v4, vm0, $0xb8;
	[tilespmem:$0xC080] =	vst v63  }
0x4d: {  	_ = 	snop  }
0x4e: {  	[tilespmem:s19], [sflag:$0x1] =	stream.indirect_vreg.gather [hbm4b:s5+s3], $0x80, v4, vm0, $0xb8;
	[tilespmem:$0xC080] =	vst v63  }
0x4f: {  	_ = 	snop  }
0x50: {  	[tilespmem:s20], [sflag:$0x1] =	stream.indirect_vreg.gather [hbm4b:s1+s3], $0x80, v3, vm0, $0xb8;
	[tilespmem:$0xC080] =	vst v63  }
0x51: {  	_ = 	snop  }
0x52: {  	[tilespmem:s21], [sflag:$0x1] =	stream.indirect_vreg.gather [hbm4b:s4+s3], $0x80, v3, vm0, $0xb8;
	[tilespmem:$0xC080] =	vst v63  }
0x53: {  	_ = 	snop  }
0x54: {  	[tilespmem:s22], [sflag:$0x1] =	stream.indirect_vreg.gather [hbm4b:s5+s3], $0x80, v3, vm0, $0xb8;
	[tilespmem:$0xC080] =	vst v63  }
0x55: {  	v3 =	vld [tilespmem:$0x30];
	_ =	sdelay $0x4  }
0x56: {  	v63 =	vshrl.u32 v3, $0x3  }
0x57: {  	v4 =	vmul.u32 $0x30, v63  }
0x58: {  	v3 =	vand.u32 $0x7, v3  }
0x59: {  	v3 =	vor.u32 v3, v4  }
0x5a: {  	v4 =	vperm.xlane v3, v0;
	_ =	sdelay $0x1  }
0x5b: {  	v4 =	vadd.s32 v1, v4;
	_ =	sdelay $0x3  }
0x5c: {  	v3 =	vperm.xlane v3, v2  }
0x5d: {  	[tilespmem:s23], [sflag:$0x1] =	stream.indirect_vreg.gather [hbm4b:s1+s3], $0x80, v4, vm0, $0xb8;
	[tilespmem:$0xC080] =	vst v63  }
0x5e: {  	v3 =	vadd.s32 v1, v3  }
0x5f: {  	[tilespmem:s24], [sflag:$0x1] =	stream.indirect_vreg.gather [hbm4b:s4+s3], $0x80, v4, vm0, $0xb8;
	[tilespmem:$0xC080] =	vst v63  }
0x60: {  	_ = 	snop  }
0x61: {  	[tilespmem:s25], [sflag:$0x1] =	stream.indirect_vreg.gather [hbm4b:s5+s3], $0x80, v4, vm0, $0xb8;
	[tilespmem:$0xC080] =	vst v63  }
0x62: {  	_ = 	snop  }
0x63: {  	[tilespmem:s26], [sflag:$0x1] =	stream.indirect_vreg.gather [hbm4b:s1+s3], $0x80, v3, vm0, $0xb8;
	[tilespmem:$0xC080] =	vst v63  }
0x64: {  	_ = 	snop  }
0x65: {  	[tilespmem:s28], [sflag:$0x1] =	stream.indirect_vreg.gather [hbm4b:s4+s3], $0x80, v3, vm0, $0xb8;
	[tilespmem:$0xC080] =	vst v63  }
0x66: {  	_ = 	snop  }
0x67: {  	[tilespmem:s29], [sflag:$0x1] =	stream.indirect_vreg.gather [hbm4b:s5+s3], $0x80, v3, vm0, $0xb8;
	[tilespmem:$0xC080] =	vst v63  }
0x68: {  	_ =	swait.ge [sflag:s30], $0xC000  }
0x69: {  	p0 =	sne.s32 s2, $0x18;
	[sflag:s30] =	ssyncset.done $0x0  }
.Ltmp0:
0x6a: {  	[sflag:s30] =	ssyncadd.s32 $0xFFFF4000;
	(pc) =	sbr.rel @p0 .LBB2_2-.Ltmp0, $4  }
0x6b: {  	[hbm4b:s7+s3] =	stream.linear.scatter [tilespmem:s9], [sflag:$0x2], $0xC000, $0x38;
	[tilespmem:$0xC080] =	vst v63  }
0x6c: {  	_ =	swait.ge [sflag:s8], $0xC000  }
0x6d: {  	[sflag:s8] =	ssyncset.done $0x0  }
0x6e: {  	s2 =	sadd.s32 $0x8, s2;
	s7 =	sadd.s32 $0x1800, s7;
	[sflag:s8] =	ssyncadd.s32 $0xFFFF4000  }
0x6f: {  	s31 =	sadd.s32 $0x1, s31;
	s0 =	rddreg [dreg:$0x8]  }
0x70: {  	p0 =	sne.s32 s31, s0  }
.Ltmp1:
0x71: {  	_ = 	snop;
	(pc) =	sbr.rel @p0 .LBB2_1-.Ltmp1, $1  }
0x72: {  	_ =	sdelay $0x3  }
0x73: {  	_ =	sfence.sel $0x180000  }
0x74: {  	[bflag:$0x0] =	sbarrier.arrive $0xFFFF  }
0x75: {  	_ =	strace $0x90000050  }
0x76: {  	s0 =	stileid.u32;
	[bflag:$0x2] =	sbarrier.arrive $0xFFFF  }
0x77: {  	p0 =	sne.s32 s0, $0x0;
	s0 =	rddreg [dreg:$0x2]  }
0x78: {  	s0 =	sadd.s32 @!p0 $0x100000, s0  }
0x79: {  	[sflag:s0] =	ssyncadd.tile.s32 @!p0 $0x1;
	_ =	shalt  }
.Lfunc_end2:
_tile_overlayer_lowered:
.L_overlay_start_2:
0x7a: {  	(tag) =	ssettag $0x2  }
0x7b: {  	s0 =	rddreg [dreg:$0x0];
	s2 =	stileid.u32  }
0x7c: {  	s1 =	rddreg [dreg:$0x1];
	p0 =	sne.s32 s2, $0x0  }
0x7d: {  	s3 =	rddreg [dreg:$0x2];
	[bflag:$0x3] =	sbarrier.arrive $0xFFFF;
	s2 =	simm.s32 @!p0 $0x1C02  }
0x7e: {  	[timem:s3], [sflag:s2] =	dma.local @!p0 [hbm:s0], s1  }
0x7f: {  	s0 =	simm.s32 @!p0 $0x2  }
0x80: {  	_ =	swait.ge @!p0 [sflag:s0], s1  }
0x81: {  	s1 =	ssub.s32 @!p0 $0x0, s1;
	[sflag:s0] =	ssyncset.done @!p0 $0x0  }
0x82: {  	[sflag:s0] =	ssyncadd.s32 @!p0 s1  }
0x83: {  	[bflag:$0x3] =	sbarrier.arrive $0xFFFF  }
0x84: {  	_ =	shalt  }

</sc_bundles>
